<compile_context>
chip_gen: v7x
topology: tpu7x:2x2x1
jax: 0.10.2.dev20260603
libtpu: 0.0.44.dev20260713+nightly
codegen_flags: <defaults>
</compile_context>

<pallas_src>
import functools

import jax
import jax.numpy as jnp
from jax import lax
from jax.experimental import pallas as pl
from jax.experimental.pallas import tpu as pltpu
from jax.experimental.pallas import tpu_sc as plsc

_DIM = 256
_NE = 8192
_TOKENS = 16384
_MT = 256
_NBLK = _TOKENS // _MT


def _vq_body(f_ref, fb_ref, eb_ref, csq_ref,
             idx_ref, loss_ref, perp_ref, counts_ref, acc_ref):
    i = pl.program_id(0)

    @pl.when(i == 0)
    def _init():
        counts_ref[...] = jnp.zeros_like(counts_ref)
        acc_ref[0] = jnp.float32(0.0)

    f = f_ref[...]
    fb = fb_ref[...]
    eb = eb_ref[...]
    s = jnp.dot(fb, eb, preferred_element_type=jnp.float32)
    rowsq = jnp.sum(f * f, axis=1, keepdims=True)
    colsq = csq_ref[...]
    cw = 1024
    nch = _NE // cw
    mval = jnp.full((_MT, 1), jnp.inf, jnp.float32)
    midx = jnp.zeros((_MT, 1), jnp.int32)
    for c in range(nch):
        dd = (rowsq - 2.0 * s[:, c * cw:(c + 1) * cw]) + colsq[:, c * cw:(c + 1) * cw]
        mc = jnp.min(dd, axis=1, keepdims=True)
        ids_c = lax.broadcasted_iota(jnp.int32, dd.shape, 1) + jnp.int32(c * cw)
        ic = jnp.min(jnp.where(dd == mc, ids_c, jnp.int32(_NE)),
                     axis=1, keepdims=True)
        better = (mc < mval) | ((mc == mval) & (ic < midx))
        mval = jnp.where(better, mc, mval).astype(jnp.bfloat16).astype(jnp.float32)
        midx = jnp.where(better, ic, midx)
    idx = midx[:, 0]
    idx_ref[0, 0, :] = idx
    acc_ref[0] += jnp.sum(mval)
    ids = lax.broadcasted_iota(jnp.int32, (_MT, _NE), 1)
    counts_ref[...] += jnp.sum((ids == idx[:, None]).astype(jnp.float32),
                               axis=0, keepdims=True)

    @pl.when(i == _NBLK - 1)
    def _fin():
        loss_ref[0, 0] = acc_ref[0] / jnp.float32(_TOKENS * _DIM)
        p = counts_ref[...] * jnp.float32(1.0 / _TOKENS)
        ent = jnp.sum(p * jnp.log(p + 1e-10))
        perp_ref[0, 0] = jnp.exp(-ent)


def _vq_tc(flatten, embed):
    fb = flatten.astype(jnp.bfloat16)
    eb = embed.astype(jnp.bfloat16)
    colsq = (embed ** 2).sum(0, keepdims=True)
    return pl.pallas_call(
        _vq_body,
        grid=(_NBLK,),
        in_specs=[
            pl.BlockSpec((_MT, _DIM), lambda i: (i, 0)),
            pl.BlockSpec((_MT, _DIM), lambda i: (i, 0)),
            pl.BlockSpec((_DIM, _NE), lambda i: (0, 0)),
            pl.BlockSpec((1, _NE), lambda i: (0, 0)),
        ],
        out_specs=[
            pl.BlockSpec((1, 1, _MT), lambda i: (i, 0, 0)),
            pl.BlockSpec(memory_space=pltpu.SMEM),
            pl.BlockSpec(memory_space=pltpu.SMEM),
        ],
        out_shape=[
            jax.ShapeDtypeStruct((_NBLK, 1, _MT), jnp.int32),
            jax.ShapeDtypeStruct((1, 1), jnp.float32),
            jax.ShapeDtypeStruct((1, 1), jnp.float32),
        ],
        scratch_shapes=[
            pltpu.VMEM((1, _NE), jnp.float32),
            pltpu.SMEM((1,), jnp.float32),
        ],
    )(flatten, fb, eb, colsq)



_NC = 2
_NS = 16
_NW = _NC * _NS
_ROWS_W = _TOKENS // _NW
_CHUNK = 256


def _gather_body(cb_ref, idx_ref, out_ref, idx_v, rows_v, sem):
    wid = lax.axis_index("s") * _NC + lax.axis_index("c")
    base = wid * _ROWS_W
    pltpu.sync_copy(idx_ref.at[pl.ds(base, _ROWS_W)], idx_v)
    for k in range(_ROWS_W // _CHUNK):
        pltpu.async_copy(
            cb_ref.at[idx_v.at[pl.ds(k * _CHUNK, _CHUNK)]], rows_v, sem
        ).wait()
        pltpu.sync_copy(rows_v, out_ref.at[pl.ds(base + k * _CHUNK, _CHUNK)])


def _sc_gather(codebook, idx):
    mesh = plsc.VectorSubcoreMesh(core_axis_name="c", subcore_axis_name="s")
    run = functools.partial(
        pl.kernel,
        mesh=mesh,
        out_type=jax.ShapeDtypeStruct((_TOKENS, _DIM), jnp.float32),
        scratch_types=[
            pltpu.VMEM((_ROWS_W,), jnp.int32),
            pltpu.VMEM((_CHUNK, _DIM), jnp.float32),
            pltpu.SemaphoreType.DMA,
        ],
    )(_gather_body)
    return run(codebook, idx)


def kernel(input, embed):
    flatten = input.reshape(-1, _DIM)
    idx3, loss, perp = _vq_tc(flatten, embed)
    codebook = embed.T
    q = _sc_gather(codebook, idx3.reshape(-1))
    return (q.reshape(input.shape), loss.reshape(()), perp.reshape(()))

# --- scband reference (transcript-rebuilt; emitter-appended) ---
"""Pipeline reference for scband-vector-quantize-2826088481328 (READ-ONLY COPY).

The authoritative reference and input builder live on the scoring server;
editing this copy changes nothing except your own understanding.
"""

import jax, jax.numpy as jnp
import numpy as np

DIM = 256
N_EMBED = 8192
COMMITMENT = 1.0


def setup_inputs(seed: int = 0) -> dict:
    key = jax.random.key(seed)
    k1, k2 = jax.random.split(key)
    inp = jax.random.normal(k1, (16, 1024, DIM), dtype=jnp.float32)
    embed = jax.random.normal(k2, (DIM, N_EMBED), dtype=jnp.float32)
    return {"input": inp, "embed": embed}


def reference(input, embed):
    dtype = input.dtype
    flatten = input.reshape(-1, DIM)
    dist = (flatten ** 2).sum(1, keepdims=True) - 2.0 * (flatten @ embed) + (embed ** 2).sum(0, keepdims=True)
    embed_ind_flat = jnp.argmax(-dist, axis=1)
    embed_onehot = jax.nn.one_hot(embed_ind_flat, N_EMBED, dtype=dtype)
    embed_ind = embed_ind_flat.reshape(input.shape[:-1])
    codebook = embed.T
    quantize = jnp.take(codebook, embed_ind, axis=0)
    loss = jnp.mean((jax.lax.stop_gradient(quantize) - input) ** 2) * COMMITMENT
    quantize = input + jax.lax.stop_gradient(quantize - input)
    avg_probs = jnp.mean(embed_onehot, axis=0)
    perplexity = jnp.exp(-jnp.sum(avg_probs * jnp.log(avg_probs + 1e-10)))
    return (quantize, loss, perplexity)

if __name__ == "__main__":
    import jax
    _d = setup_inputs()
    print(jax.jit(kernel)(*tuple(_d.values())))

</pallas_src>

<mosaic_0001>
#map = affine_map<(d0, d1) -> (0, 0)>
#map1 = affine_map<(d0, d1) -> (0)>
module attributes {stable_mosaic.version = 14 : i64} {
  func.func @_gather_body(%arg0: i32, %arg1: i32, %arg2: memref<8192x256xf32, #tpu.memory_space<hbm>>, %arg3: memref<16384xi32, #tpu.memory_space<hbm>>, %arg4: memref<16384x256xf32, #tpu.memory_space<hbm>>, %arg5: memref<512xi32, #tpu.memory_space<vmem>>, %arg6: memref<256x256xf32, #tpu.memory_space<vmem>>, %arg7: memref<!tpu.dma_semaphore, #tpu.memory_space<semaphore_mem>>) attributes {dimension_semantics = [#tpu.dimension_semantics<core_parallel>, #tpu.dimension_semantics<subcore_parallel>], iteration_bounds = array<i64: 2, 16>, scalar_prefetch = 0 : i64, scratch_operands = 3 : i64, tpu.core_type = #tpu.core_type<sc_vector_subcore>, window_params = [{transform_indices = #map}, {transform_indices = #map1}, {transform_indices = #map}]} {
    %mul3A = arith.constant 2 : i32
    %mul3A_0 = arith.muli %arg1, %mul3A : i32
    %add3A = arith.addi %mul3A_0, %arg0 : i32
    %mul3A_1 = arith.constant 512 : i32
    %mul3A_2 = arith.muli %add3A, %mul3A_1 : i32
    "tpu.region"() ({
      %run_scoped3A = tpu.sem_alloc : memref<!tpu.dma_semaphore, #tpu.memory_space<semaphore_mem>>
      %dma_start3A_25 = tpu.memref_slice %arg3[%mul3A_2] : memref<16384xi32, #tpu.memory_space<hbm>> -> memref<512xi32, #tpu.memory_space<hbm>>
      %dma_start3A_26 = tpu.memref_slice %arg3[%mul3A_2] : memref<16384xi32, #tpu.memory_space<hbm>> -> memref<512xi32, #tpu.memory_space<hbm>>
      tpu.enqueue_dma source(%dma_start3A_26 : memref<512xi32, #tpu.memory_space<hbm>>) target(%arg5 : memref<512xi32, #tpu.memory_space<vmem>>) target_semaphore(%run_scoped3A : memref<!tpu.dma_semaphore, #tpu.memory_space<semaphore_mem>>)
      %dma_wait3A_27 = tpu.memref_slice %arg3[%mul3A_2] : memref<16384xi32, #tpu.memory_space<hbm>> -> memref<512xi32, #tpu.memory_space<hbm>>
      %dma_wait3A_28 = tpu.memref_slice %arg3[%mul3A_2] : memref<16384xi32, #tpu.memory_space<hbm>> -> memref<512xi32, #tpu.memory_space<hbm>>
      tpu.wait_dma2 semaphore(%run_scoped3A : memref<!tpu.dma_semaphore, #tpu.memory_space<semaphore_mem>>) src(%dma_wait3A_28 : memref<512xi32, #tpu.memory_space<hbm>>) dst(%arg5 : memref<512xi32, #tpu.memory_space<vmem>>)
      tpu.yield
    }) : () -> ()
    %dma_start3A = arith.constant 0 : i32
    %dma_start3A_3 = tpu.memref_slice %arg5[%dma_start3A] : memref<512xi32, #tpu.memory_space<vmem>> -> memref<256xi32, #tpu.memory_space<vmem>>
    %dma_start3A_4 = arith.constant 0 : i32
    %dma_start3A_5 = arith.constant 0 : i32
    %dma_start3A_6 = tpu.memref_slice %arg2[%dma_start3A_4, %dma_start3A_5] : memref<8192x256xf32, #tpu.memory_space<hbm>> -> memref<8192x256xf32, #tpu.memory_space<hbm>>
    tpu.enqueue_indirect_dma source(%dma_start3A_6 : memref<8192x256xf32, #tpu.memory_space<hbm>>) target(%arg6 : memref<256x256xf32, #tpu.memory_space<vmem>>) offsets(%dma_start3A_3 : memref<256xi32, #tpu.memory_space<vmem>>) semaphore(%arg7 : memref<!tpu.dma_semaphore, #tpu.memory_space<semaphore_mem>>)
    %dma_wait3A = arith.constant 0 : i32
    %dma_wait3A_7 = tpu.memref_slice %arg5[%dma_wait3A] : memref<512xi32, #tpu.memory_space<vmem>> -> memref<256xi32, #tpu.memory_space<vmem>>
    %dma_wait3A_8 = arith.constant 0 : i32
    %dma_wait3A_9 = arith.constant 0 : i32
    %dma_wait3A_10 = tpu.memref_slice %arg2[%dma_wait3A_8, %dma_wait3A_9] : memref<8192x256xf32, #tpu.memory_space<hbm>> -> memref<8192x256xf32, #tpu.memory_space<hbm>>
    tpu.wait_indirect_dma semaphore(%arg7 : memref<!tpu.dma_semaphore, #tpu.memory_space<semaphore_mem>>) src(%dma_wait3A_10 : memref<8192x256xf32, #tpu.memory_space<hbm>>) dst(%arg6 : memref<256x256xf32, #tpu.memory_space<vmem>>)
    %add3A_11 = arith.constant 0 : i32
    %add3A_12 = arith.addi %mul3A_2, %add3A_11 : i32
    "tpu.region"() ({
      %run_scoped3A = tpu.sem_alloc : memref<!tpu.dma_semaphore, #tpu.memory_space<semaphore_mem>>
      %dma_start3A_25 = arith.constant 0 : i32
      %dma_start3A_26 = tpu.memref_slice %arg4[%add3A_12, %dma_start3A_25] : memref<16384x256xf32, #tpu.memory_space<hbm>> -> memref<256x256xf32, #tpu.memory_space<hbm>>
      %dma_start3A_27 = arith.constant 0 : i32
      %dma_start3A_28 = tpu.memref_slice %arg4[%add3A_12, %dma_start3A_27] : memref<16384x256xf32, #tpu.memory_space<hbm>> -> memref<256x256xf32, #tpu.memory_space<hbm>>
      tpu.enqueue_dma source(%arg6 : memref<256x256xf32, #tpu.memory_space<vmem>>) target(%dma_start3A_28 : memref<256x256xf32, #tpu.memory_space<hbm>>) target_semaphore(%run_scoped3A : memref<!tpu.dma_semaphore, #tpu.memory_space<semaphore_mem>>)
      %dma_wait3A_29 = arith.constant 0 : i32
      %dma_wait3A_30 = tpu.memref_slice %arg4[%add3A_12, %dma_wait3A_29] : memref<16384x256xf32, #tpu.memory_space<hbm>> -> memref<256x256xf32, #tpu.memory_space<hbm>>
      %dma_wait3A_31 = arith.constant 0 : i32
      %dma_wait3A_32 = tpu.memref_slice %arg4[%add3A_12, %dma_wait3A_31] : memref<16384x256xf32, #tpu.memory_space<hbm>> -> memref<256x256xf32, #tpu.memory_space<hbm>>
      tpu.wait_dma2 semaphore(%run_scoped3A : memref<!tpu.dma_semaphore, #tpu.memory_space<semaphore_mem>>) src(%arg6 : memref<256x256xf32, #tpu.memory_space<vmem>>) dst(%dma_wait3A_32 : memref<256x256xf32, #tpu.memory_space<hbm>>)
      tpu.yield
    }) : () -> ()
    %dma_start3A_13 = arith.constant 256 : i32
    %dma_start3A_14 = tpu.memref_slice %arg5[%dma_start3A_13] : memref<512xi32, #tpu.memory_space<vmem>> -> memref<256xi32, #tpu.memory_space<vmem>>
    %dma_start3A_15 = arith.constant 0 : i32
    %dma_start3A_16 = arith.constant 0 : i32
    %dma_start3A_17 = tpu.memref_slice %arg2[%dma_start3A_15, %dma_start3A_16] : memref<8192x256xf32, #tpu.memory_space<hbm>> -> memref<8192x256xf32, #tpu.memory_space<hbm>>
    tpu.enqueue_indirect_dma source(%dma_start3A_17 : memref<8192x256xf32, #tpu.memory_space<hbm>>) target(%arg6 : memref<256x256xf32, #tpu.memory_space<vmem>>) offsets(%dma_start3A_14 : memref<256xi32, #tpu.memory_space<vmem>>) semaphore(%arg7 : memref<!tpu.dma_semaphore, #tpu.memory_space<semaphore_mem>>)
    %dma_wait3A_18 = arith.constant 256 : i32
    %dma_wait3A_19 = tpu.memref_slice %arg5[%dma_wait3A_18] : memref<512xi32, #tpu.memory_space<vmem>> -> memref<256xi32, #tpu.memory_space<vmem>>
    %dma_wait3A_20 = arith.constant 0 : i32
    %dma_wait3A_21 = arith.constant 0 : i32
    %dma_wait3A_22 = tpu.memref_slice %arg2[%dma_wait3A_20, %dma_wait3A_21] : memref<8192x256xf32, #tpu.memory_space<hbm>> -> memref<8192x256xf32, #tpu.memory_space<hbm>>
    tpu.wait_indirect_dma semaphore(%arg7 : memref<!tpu.dma_semaphore, #tpu.memory_space<semaphore_mem>>) src(%dma_wait3A_22 : memref<8192x256xf32, #tpu.memory_space<hbm>>) dst(%arg6 : memref<256x256xf32, #tpu.memory_space<vmem>>)
    %add3A_23 = arith.constant 256 : i32
    %add3A_24 = arith.addi %mul3A_2, %add3A_23 : i32
    "tpu.region"() ({
      %run_scoped3A = tpu.sem_alloc : memref<!tpu.dma_semaphore, #tpu.memory_space<semaphore_mem>>
      %dma_start3A_25 = arith.constant 0 : i32
      %dma_start3A_26 = tpu.memref_slice %arg4[%add3A_24, %dma_start3A_25] : memref<16384x256xf32, #tpu.memory_space<hbm>> -> memref<256x256xf32, #tpu.memory_space<hbm>>
      %dma_start3A_27 = arith.constant 0 : i32
      %dma_start3A_28 = tpu.memref_slice %arg4[%add3A_24, %dma_start3A_27] : memref<16384x256xf32, #tpu.memory_space<hbm>> -> memref<256x256xf32, #tpu.memory_space<hbm>>
      tpu.enqueue_dma source(%arg6 : memref<256x256xf32, #tpu.memory_space<vmem>>) target(%dma_start3A_28 : memref<256x256xf32, #tpu.memory_space<hbm>>) target_semaphore(%run_scoped3A : memref<!tpu.dma_semaphore, #tpu.memory_space<semaphore_mem>>)
      %dma_wait3A_29 = arith.constant 0 : i32
      %dma_wait3A_30 = tpu.memref_slice %arg4[%add3A_24, %dma_wait3A_29] : memref<16384x256xf32, #tpu.memory_space<hbm>> -> memref<256x256xf32, #tpu.memory_space<hbm>>
      %dma_wait3A_31 = arith.constant 0 : i32
      %dma_wait3A_32 = tpu.memref_slice %arg4[%add3A_24, %dma_wait3A_31] : memref<16384x256xf32, #tpu.memory_space<hbm>> -> memref<256x256xf32, #tpu.memory_space<hbm>>
      tpu.wait_dma2 semaphore(%run_scoped3A : memref<!tpu.dma_semaphore, #tpu.memory_space<semaphore_mem>>) src(%arg6 : memref<256x256xf32, #tpu.memory_space<vmem>>) dst(%dma_wait3A_32 : memref<256x256xf32, #tpu.memory_space<hbm>>)
      tpu.yield
    }) : () -> ()
    return
  }
}

module attributes {stable_mosaic.version = 14 : i64} {
  func.func @_vq_body(%arg0: i32, %arg1: memref<256x256xf32, #tpu.memory_space<vmem>>, %arg2: memref<256x256xbf16, #tpu.memory_space<vmem>>, %arg3: memref<256x8192xbf16, #tpu.memory_space<vmem>>, %arg4: memref<1x8192xf32, #tpu.memory_space<vmem>>, %arg5: memref<1x1x256xi32, #tpu.memory_space<vmem>>, %arg6: memref<1x1xf32, #tpu.memory_space<smem>>, %arg7: memref<1x1xf32, #tpu.memory_space<smem>>, %arg8: memref<1x8192xf32, #tpu.memory_space<vmem>>, %arg9: memref<1xf32, #tpu.memory_space<smem>>) attributes {dimension_semantics = [#tpu.dimension_semantics<arbitrary>], iteration_bounds = array<i64: 64>, scalar_prefetch = 0 : i64, scratch_operands = 2 : i64, tpu.core_type = #tpu.core_type<tc>, window_params = [{transform_indices = @transform_0, window_bounds = array<i64: 256, 256>}, {transform_indices = @transform_1, window_bounds = array<i64: 256, 256>}, {pipeline_mode = #tpu.pipeline_mode<synchronous>, transform_indices = @transform_2, window_bounds = array<i64: 256, 8192>}, {pipeline_mode = #tpu.pipeline_mode<synchronous>, transform_indices = @transform_3, window_bounds = array<i64: 1, 8192>}, {transform_indices = @transform_4, window_bounds = array<i64: 1, 1, 256>}, {transform_indices = @transform_5, window_bounds = array<i64: 1, 1>}, {transform_indices = @transform_6, window_bounds = array<i64: 1, 1>}]} {
    %eq3A = arith.constant 0 : i32
    %eq3A_0 = arith.cmpi eq, %arg0, %eq3A : i32
    %convert_element_type3A = arith.extui %eq3A_0 : i1 to i32
    %cond3A = arith.constant 0 : i32
    %cond3A_1 = arith.cmpi ne, %convert_element_type3A, %cond3A : i32
    scf.if %cond3A_1 {
      %broadcast_in_dim3A_309 = arith.constant 0.000000e+00 : f32
      %broadcast_in_dim3A_310 = vector.broadcast %broadcast_in_dim3A_309 : f32 to vector<1x8192xf32>
      %swap3A_311 = arith.constant 0 : index
      %swap3A_312 = arith.constant 0 : index
      %swap3A_313 = vector.load %arg8[%swap3A_311, %swap3A_312] : memref<1x8192xf32, #tpu.memory_space<vmem>>, vector<1x8192xf32>
      tpu.vector_store %arg8[%swap3A_311, %swap3A_312], %broadcast_in_dim3A_310 {strides = array<i32>} : memref<1x8192xf32, #tpu.memory_space<vmem>>, vector<1x8192xf32>,
      %swap3A_314 = arith.constant 0.000000e+00 : f32
      %swap3A_315 = arith.constant 0 : index
      %swap3A_316 = memref.load %arg9[%swap3A_315] : memref<1xf32, #tpu.memory_space<smem>>
      memref.store %swap3A_314, %arg9[%swap3A_315] : memref<1xf32, #tpu.memory_space<smem>>
    } else {
    }
    %get3A = arith.constant 0 : index
    %get3A_2 = arith.constant 0 : index
    %get3A_3 = vector.load %arg1[%get3A, %get3A_2] : memref<256x256xf32, #tpu.memory_space<vmem>>, vector<256x256xf32>
    %get3A_4 = arith.constant 0 : index
    %get3A_5 = arith.constant 0 : index
    %get3A_6 = vector.load %arg2[%get3A_4, %get3A_5] : memref<256x256xbf16, #tpu.memory_space<vmem>>, vector<256x256xbf16>
    %get3A_7 = arith.constant 0 : index
    %get3A_8 = arith.constant 0 : index
    %get3A_9 = vector.load %arg3[%get3A_7, %get3A_8] : memref<256x8192xbf16, #tpu.memory_space<vmem>>, vector<256x8192xbf16>
    %dot_general3A = arith.constant dense<0.000000e+00> : vector<256x8192xf32>
    %dot_general3A_10 = tpu.matmul %get3A_6, %get3A_9, %dot_general3A {dimension_numbers = #tpu.dot_dimension_numbers<[1], [0], [0], [1], [0, 0, 1, 1], [], []>, transpose_lhs_hint = false} : vector<256x256xbf16>, vector<256x8192xbf16>, vector<256x8192xf32> -> vector<256x8192xf32>
    %mul3A = arith.mulf %get3A_3, %get3A_3 : vector<256x256xf32>
    %reduce_sum3A = arith.constant dense<0.000000e+00> : vector<256xf32>
    %reduce_sum3A_11 = vector.multi_reduction <add>, %mul3A, %reduce_sum3A [1] : vector<256x256xf32> to vector<256xf32>
    %broadcast_in_dim3A = vector.shape_cast %reduce_sum3A_11 : vector<256xf32> to vector<256x1xf32>
    %get3A_12 = arith.constant 0 : index
    %get3A_13 = arith.constant 0 : index
    %get3A_14 = vector.load %arg4[%get3A_12, %get3A_13] : memref<1x8192xf32, #tpu.memory_space<vmem>>, vector<1x8192xf32>
    %broadcast_in_dim3A_15 = arith.constant 0x7F800000 : f32
    %broadcast_in_dim3A_16 = vector.broadcast %broadcast_in_dim3A_15 : f32 to vector<256x1xf32>
    %broadcast_in_dim3A_17 = arith.constant 0 : i32
    %broadcast_in_dim3A_18 = vector.broadcast %broadcast_in_dim3A_17 : i32 to vector<256x1xi32>
    %slice3A = vector.extract_strided_slice %dot_general3A_10 {offsets = [0, 0], sizes = [256, 1024], strides = [1, 1]} : vector<256x8192xf32> to vector<256x1024xf32>
    %mul3A_19 = arith.constant 2.000000e+00 : f32
    %mul3A_20 = vector.broadcast %mul3A_19 : f32 to vector<256x1024xf32>
    %mul3A_21 = arith.mulf %mul3A_20, %slice3A : vector<256x1024xf32>
    %sub3A = vector.broadcast %broadcast_in_dim3A : vector<256x1xf32> to vector<256x1024xf32>
    %sub3A_22 = arith.subf %sub3A, %mul3A_21 : vector<256x1024xf32>
    %slice3A_23 = vector.extract_strided_slice %get3A_14 {offsets = [0, 0], sizes = [1, 1024], strides = [1, 1]} : vector<1x8192xf32> to vector<1x1024xf32>
    %add3A = vector.broadcast %slice3A_23 : vector<1x1024xf32> to vector<256x1024xf32>
    %add3A_24 = arith.addf %sub3A_22, %add3A : vector<256x1024xf32>
    %reduce_min3A = arith.constant dense<0x7F800000> : vector<256xf32>
    %reduce_min3A_25 = vector.multi_reduction <minimumf>, %add3A_24, %reduce_min3A [1] : vector<256x1024xf32> to vector<256xf32>
    %broadcast_in_dim3A_26 = vector.shape_cast %reduce_min3A_25 : vector<256xf32> to vector<256x1xf32>
    %iota3A = tpu.iota {dimensions = array<i32: 1>} : vector<256x1024xi32>
    %add3A_27 = arith.constant 0 : i32
    %add3A_28 = vector.broadcast %add3A_27 : i32 to vector<256x1024xi32>
    %add3A_29 = arith.addi %iota3A, %add3A_28 : vector<256x1024xi32>
    %eq3A_30 = vector.broadcast %broadcast_in_dim3A_26 : vector<256x1xf32> to vector<256x1024xf32>
    %eq3A_31 = arith.cmpf oeq, %add3A_24, %eq3A_30 : vector<256x1024xf32>
    %jit3A = arith.constant 8192 : i32
    %broadcast_in_dim3A_32 = vector.broadcast %jit3A : i32 to vector<256x1024xi32>
    %select_n3A = arith.select %eq3A_31, %add3A_29, %broadcast_in_dim3A_32 : vector<256x1024xi1>, vector<256x1024xi32>
    %reduce_min3A_33 = arith.constant dense<2147483647> : vector<256xi32>
    %reduce_min3A_34 = vector.multi_reduction <minsi>, %select_n3A, %reduce_min3A_33 [1] : vector<256x1024xi32> to vector<256xi32>
    %broadcast_in_dim3A_35 = vector.shape_cast %reduce_min3A_34 : vector<256xi32> to vector<256x1xi32>
    %lt3A = arith.cmpf olt, %broadcast_in_dim3A_26, %broadcast_in_dim3A_16 : vector<256x1xf32>
    %eq3A_36 = arith.cmpf oeq, %broadcast_in_dim3A_26, %broadcast_in_dim3A_16 : vector<256x1xf32>
    %lt3A_37 = arith.cmpi slt, %broadcast_in_dim3A_35, %broadcast_in_dim3A_18 : vector<256x1xi32>
    %and3A = arith.andi %eq3A_36, %lt3A_37 : vector<256x1xi1>
    %or3A = arith.ori %lt3A, %and3A : vector<256x1xi1>
    %select_n3A_38 = arith.select %or3A, %broadcast_in_dim3A_26, %broadcast_in_dim3A_16 : vector<256x1xi1>, vector<256x1xf32>
    %convert_element_type3A_39 = arith.truncf %select_n3A_38 : vector<256x1xf32> to vector<256x1xbf16>
    %convert_element_type3A_40 = arith.extf %convert_element_type3A_39 : vector<256x1xbf16> to vector<256x1xf32>
    %select_n3A_41 = arith.select %or3A, %broadcast_in_dim3A_35, %broadcast_in_dim3A_18 : vector<256x1xi1>, vector<256x1xi32>
    %slice3A_42 = vector.extract_strided_slice %dot_general3A_10 {offsets = [0, 1024], sizes = [256, 1024], strides = [1, 1]} : vector<256x8192xf32> to vector<256x1024xf32>
    %mul3A_43 = arith.constant 2.000000e+00 : f32
    %mul3A_44 = vector.broadcast %mul3A_43 : f32 to vector<256x1024xf32>
    %mul3A_45 = arith.mulf %mul3A_44, %slice3A_42 : vector<256x1024xf32>
    %sub3A_46 = vector.broadcast %broadcast_in_dim3A : vector<256x1xf32> to vector<256x1024xf32>
    %sub3A_47 = arith.subf %sub3A_46, %mul3A_45 : vector<256x1024xf32>
    %slice3A_48 = vector.extract_strided_slice %get3A_14 {offsets = [0, 1024], sizes = [1, 1024], strides = [1, 1]} : vector<1x8192xf32> to vector<1x1024xf32>
    %add3A_49 = vector.broadcast %slice3A_48 : vector<1x1024xf32> to vector<256x1024xf32>
    %add3A_50 = arith.addf %sub3A_47, %add3A_49 : vector<256x1024xf32>
    %reduce_min3A_51 = arith.constant dense<0x7F800000> : vector<256xf32>
    %reduce_min3A_52 = vector.multi_reduction <minimumf>, %add3A_50, %reduce_min3A_51 [1] : vector<256x1024xf32> to vector<256xf32>
    %broadcast_in_dim3A_53 = vector.shape_cast %reduce_min3A_52 : vector<256xf32> to vector<256x1xf32>
    %iota3A_54 = tpu.iota {dimensions = array<i32: 1>} : vector<256x1024xi32>
    %add3A_55 = arith.constant 1024 : i32
    %add3A_56 = vector.broadcast %add3A_55 : i32 to vector<256x1024xi32>
    %add3A_57 = arith.addi %iota3A_54, %add3A_56 : vector<256x1024xi32>
    %eq3A_58 = vector.broadcast %broadcast_in_dim3A_53 : vector<256x1xf32> to vector<256x1024xf32>
    %eq3A_59 = arith.cmpf oeq, %add3A_50, %eq3A_58 : vector<256x1024xf32>
    %jit3A_60 = arith.constant 8192 : i32
    %broadcast_in_dim3A_61 = vector.broadcast %jit3A_60 : i32 to vector<256x1024xi32>
    %select_n3A_62 = arith.select %eq3A_59, %add3A_57, %broadcast_in_dim3A_61 : vector<256x1024xi1>, vector<256x1024xi32>
    %reduce_min3A_63 = arith.constant dense<2147483647> : vector<256xi32>
    %reduce_min3A_64 = vector.multi_reduction <minsi>, %select_n3A_62, %reduce_min3A_63 [1] : vector<256x1024xi32> to vector<256xi32>
    %broadcast_in_dim3A_65 = vector.shape_cast %reduce_min3A_64 : vector<256xi32> to vector<256x1xi32>
    %lt3A_66 = arith.cmpf olt, %broadcast_in_dim3A_53, %convert_element_type3A_40 : vector<256x1xf32>
    %eq3A_67 = arith.cmpf oeq, %broadcast_in_dim3A_53, %convert_element_type3A_40 : vector<256x1xf32>
    %lt3A_68 = arith.cmpi slt, %broadcast_in_dim3A_65, %select_n3A_41 : vector<256x1xi32>
    %and3A_69 = arith.andi %eq3A_67, %lt3A_68 : vector<256x1xi1>
    %or3A_70 = arith.ori %lt3A_66, %and3A_69 : vector<256x1xi1>
    %select_n3A_71 = arith.select %or3A_70, %broadcast_in_dim3A_53, %convert_element_type3A_40 : vector<256x1xi1>, vector<256x1xf32>
    %convert_element_type3A_72 = arith.truncf %select_n3A_71 : vector<256x1xf32> to vector<256x1xbf16>
    %convert_element_type3A_73 = arith.extf %convert_element_type3A_72 : vector<256x1xbf16> to vector<256x1xf32>
    %select_n3A_74 = arith.select %or3A_70, %broadcast_in_dim3A_65, %select_n3A_41 : vector<256x1xi1>, vector<256x1xi32>
    %slice3A_75 = vector.extract_strided_slice %dot_general3A_10 {offsets = [0, 2048], sizes = [256, 1024], strides = [1, 1]} : vector<256x8192xf32> to vector<256x1024xf32>
    %mul3A_76 = arith.constant 2.000000e+00 : f32
    %mul3A_77 = vector.broadcast %mul3A_76 : f32 to vector<256x1024xf32>
    %mul3A_78 = arith.mulf %mul3A_77, %slice3A_75 : vector<256x1024xf32>
    %sub3A_79 = vector.broadcast %broadcast_in_dim3A : vector<256x1xf32> to vector<256x1024xf32>
    %sub3A_80 = arith.subf %sub3A_79, %mul3A_78 : vector<256x1024xf32>
    %slice3A_81 = vector.extract_strided_slice %get3A_14 {offsets = [0, 2048], sizes = [1, 1024], strides = [1, 1]} : vector<1x8192xf32> to vector<1x1024xf32>
    %add3A_82 = vector.broadcast %slice3A_81 : vector<1x1024xf32> to vector<256x1024xf32>
    %add3A_83 = arith.addf %sub3A_80, %add3A_82 : vector<256x1024xf32>
    %reduce_min3A_84 = arith.constant dense<0x7F800000> : vector<256xf32>
    %reduce_min3A_85 = vector.multi_reduction <minimumf>, %add3A_83, %reduce_min3A_84 [1] : vector<256x1024xf32> to vector<256xf32>
    %broadcast_in_dim3A_86 = vector.shape_cast %reduce_min3A_85 : vector<256xf32> to vector<256x1xf32>
    %iota3A_87 = tpu.iota {dimensions = array<i32: 1>} : vector<256x1024xi32>
    %add3A_88 = arith.constant 2048 : i32
    %add3A_89 = vector.broadcast %add3A_88 : i32 to vector<256x1024xi32>
    %add3A_90 = arith.addi %iota3A_87, %add3A_89 : vector<256x1024xi32>
    %eq3A_91 = vector.broadcast %broadcast_in_dim3A_86 : vector<256x1xf32> to vector<256x1024xf32>
    %eq3A_92 = arith.cmpf oeq, %add3A_83, %eq3A_91 : vector<256x1024xf32>
    %jit3A_93 = arith.constant 8192 : i32
    %broadcast_in_dim3A_94 = vector.broadcast %jit3A_93 : i32 to vector<256x1024xi32>
    %select_n3A_95 = arith.select %eq3A_92, %add3A_90, %broadcast_in_dim3A_94 : vector<256x1024xi1>, vector<256x1024xi32>
    %reduce_min3A_96 = arith.constant dense<2147483647> : vector<256xi32>
    %reduce_min3A_97 = vector.multi_reduction <minsi>, %select_n3A_95, %reduce_min3A_96 [1] : vector<256x1024xi32> to vector<256xi32>
    %broadcast_in_dim3A_98 = vector.shape_cast %reduce_min3A_97 : vector<256xi32> to vector<256x1xi32>
    %lt3A_99 = arith.cmpf olt, %broadcast_in_dim3A_86, %convert_element_type3A_73 : vector<256x1xf32>
    %eq3A_100 = arith.cmpf oeq, %broadcast_in_dim3A_86, %convert_element_type3A_73 : vector<256x1xf32>
    %lt3A_101 = arith.cmpi slt, %broadcast_in_dim3A_98, %select_n3A_74 : vector<256x1xi32>
    %and3A_102 = arith.andi %eq3A_100, %lt3A_101 : vector<256x1xi1>
    %or3A_103 = arith.ori %lt3A_99, %and3A_102 : vector<256x1xi1>
    %select_n3A_104 = arith.select %or3A_103, %broadcast_in_dim3A_86, %convert_element_type3A_73 : vector<256x1xi1>, vector<256x1xf32>
    %convert_element_type3A_105 = arith.truncf %select_n3A_104 : vector<256x1xf32> to vector<256x1xbf16>
    %convert_element_type3A_106 = arith.extf %convert_element_type3A_105 : vector<256x1xbf16> to vector<256x1xf32>
    %select_n3A_107 = arith.select %or3A_103, %broadcast_in_dim3A_98, %select_n3A_74 : vector<256x1xi1>, vector<256x1xi32>
    %slice3A_108 = vector.extract_strided_slice %dot_general3A_10 {offsets = [0, 3072], sizes = [256, 1024], strides = [1, 1]} : vector<256x8192xf32> to vector<256x1024xf32>
    %mul3A_109 = arith.constant 2.000000e+00 : f32
    %mul3A_110 = vector.broadcast %mul3A_109 : f32 to vector<256x1024xf32>
    %mul3A_111 = arith.mulf %mul3A_110, %slice3A_108 : vector<256x1024xf32>
    %sub3A_112 = vector.broadcast %broadcast_in_dim3A : vector<256x1xf32> to vector<256x1024xf32>
    %sub3A_113 = arith.subf %sub3A_112, %mul3A_111 : vector<256x1024xf32>
    %slice3A_114 = vector.extract_strided_slice %get3A_14 {offsets = [0, 3072], sizes = [1, 1024], strides = [1, 1]} : vector<1x8192xf32> to vector<1x1024xf32>
    %add3A_115 = vector.broadcast %slice3A_114 : vector<1x1024xf32> to vector<256x1024xf32>
    %add3A_116 = arith.addf %sub3A_113, %add3A_115 : vector<256x1024xf32>
    %reduce_min3A_117 = arith.constant dense<0x7F800000> : vector<256xf32>
    %reduce_min3A_118 = vector.multi_reduction <minimumf>, %add3A_116, %reduce_min3A_117 [1] : vector<256x1024xf32> to vector<256xf32>
    %broadcast_in_dim3A_119 = vector.shape_cast %reduce_min3A_118 : vector<256xf32> to vector<256x1xf32>
    %iota3A_120 = tpu.iota {dimensions = array<i32: 1>} : vector<256x1024xi32>
    %add3A_121 = arith.constant 3072 : i32
    %add3A_122 = vector.broadcast %add3A_121 : i32 to vector<256x1024xi32>
    %add3A_123 = arith.addi %iota3A_120, %add3A_122 : vector<256x1024xi32>
    %eq3A_124 = vector.broadcast %broadcast_in_dim3A_119 : vector<256x1xf32> to vector<256x1024xf32>
    %eq3A_125 = arith.cmpf oeq, %add3A_116, %eq3A_124 : vector<256x1024xf32>
    %jit3A_126 = arith.constant 8192 : i32
    %broadcast_in_dim3A_127 = vector.broadcast %jit3A_126 : i32 to vector<256x1024xi32>
    %select_n3A_128 = arith.select %eq3A_125, %add3A_123, %broadcast_in_dim3A_127 : vector<256x1024xi1>, vector<256x1024xi32>
    %reduce_min3A_129 = arith.constant dense<2147483647> : vector<256xi32>
    %reduce_min3A_130 = vector.multi_reduction <minsi>, %select_n3A_128, %reduce_min3A_129 [1] : vector<256x1024xi32> to vector<256xi32>
    %broadcast_in_dim3A_131 = vector.shape_cast %reduce_min3A_130 : vector<256xi32> to vector<256x1xi32>
    %lt3A_132 = arith.cmpf olt, %broadcast_in_dim3A_119, %convert_element_type3A_106 : vector<256x1xf32>
    %eq3A_133 = arith.cmpf oeq, %broadcast_in_dim3A_119, %convert_element_type3A_106 : vector<256x1xf32>
    %lt3A_134 = arith.cmpi slt, %broadcast_in_dim3A_131, %select_n3A_107 : vector<256x1xi32>
    %and3A_135 = arith.andi %eq3A_133, %lt3A_134 : vector<256x1xi1>
    %or3A_136 = arith.ori %lt3A_132, %and3A_135 : vector<256x1xi1>
    %select_n3A_137 = arith.select %or3A_136, %broadcast_in_dim3A_119, %convert_element_type3A_106 : vector<256x1xi1>, vector<256x1xf32>
    %convert_element_type3A_138 = arith.truncf %select_n3A_137 : vector<256x1xf32> to vector<256x1xbf16>
    %convert_element_type3A_139 = arith.extf %convert_element_type3A_138 : vector<256x1xbf16> to vector<256x1xf32>
    %select_n3A_140 = arith.select %or3A_136, %broadcast_in_dim3A_131, %select_n3A_107 : vector<256x1xi1>, vector<256x1xi32>
    %slice3A_141 = vector.extract_strided_slice %dot_general3A_10 {offsets = [0, 4096], sizes = [256, 1024], strides = [1, 1]} : vector<256x8192xf32> to vector<256x1024xf32>
    %mul3A_142 = arith.constant 2.000000e+00 : f32
    %mul3A_143 = vector.broadcast %mul3A_142 : f32 to vector<256x1024xf32>
    %mul3A_144 = arith.mulf %mul3A_143, %slice3A_141 : vector<256x1024xf32>
    %sub3A_145 = vector.broadcast %broadcast_in_dim3A : vector<256x1xf32> to vector<256x1024xf32>
    %sub3A_146 = arith.subf %sub3A_145, %mul3A_144 : vector<256x1024xf32>
    %slice3A_147 = vector.extract_strided_slice %get3A_14 {offsets = [0, 4096], sizes = [1, 1024], strides = [1, 1]} : vector<1x8192xf32> to vector<1x1024xf32>
    %add3A_148 = vector.broadcast %slice3A_147 : vector<1x1024xf32> to vector<256x1024xf32>
    %add3A_149 = arith.addf %sub3A_146, %add3A_148 : vector<256x1024xf32>
    %reduce_min3A_150 = arith.constant dense<0x7F800000> : vector<256xf32>
    %reduce_min3A_151 = vector.multi_reduction <minimumf>, %add3A_149, %reduce_min3A_150 [1] : vector<256x1024xf32> to vector<256xf32>
    %broadcast_in_dim3A_152 = vector.shape_cast %reduce_min3A_151 : vector<256xf32> to vector<256x1xf32>
    %iota3A_153 = tpu.iota {dimensions = array<i32: 1>} : vector<256x1024xi32>
    %add3A_154 = arith.constant 4096 : i32
    %add3A_155 = vector.broadcast %add3A_154 : i32 to vector<256x1024xi32>
    %add3A_156 = arith.addi %iota3A_153, %add3A_155 : vector<256x1024xi32>
    %eq3A_157 = vector.broadcast %broadcast_in_dim3A_152 : vector<256x1xf32> to vector<256x1024xf32>
    %eq3A_158 = arith.cmpf oeq, %add3A_149, %eq3A_157 : vector<256x1024xf32>
    %jit3A_159 = arith.constant 8192 : i32
    %broadcast_in_dim3A_160 = vector.broadcast %jit3A_159 : i32 to vector<256x1024xi32>
    %select_n3A_161 = arith.select %eq3A_158, %add3A_156, %broadcast_in_dim3A_160 : vector<256x1024xi1>, vector<256x1024xi32>
    %reduce_min3A_162 = arith.constant dense<2147483647> : vector<256xi32>
    %reduce_min3A_163 = vector.multi_reduction <minsi>, %select_n3A_161, %reduce_min3A_162 [1] : vector<256x1024xi32> to vector<256xi32>
    %broadcast_in_dim3A_164 = vector.shape_cast %reduce_min3A_163 : vector<256xi32> to vector<256x1xi32>
    %lt3A_165 = arith.cmpf olt, %broadcast_in_dim3A_152, %convert_element_type3A_139 : vector<256x1xf32>
    %eq3A_166 = arith.cmpf oeq, %broadcast_in_dim3A_152, %convert_element_type3A_139 : vector<256x1xf32>
    %lt3A_167 = arith.cmpi slt, %broadcast_in_dim3A_164, %select_n3A_140 : vector<256x1xi32>
    %and3A_168 = arith.andi %eq3A_166, %lt3A_167 : vector<256x1xi1>
    %or3A_169 = arith.ori %lt3A_165, %and3A_168 : vector<256x1xi1>
    %select_n3A_170 = arith.select %or3A_169, %broadcast_in_dim3A_152, %convert_element_type3A_139 : vector<256x1xi1>, vector<256x1xf32>
    %convert_element_type3A_171 = arith.truncf %select_n3A_170 : vector<256x1xf32> to vector<256x1xbf16>
    %convert_element_type3A_172 = arith.extf %convert_element_type3A_171 : vector<256x1xbf16> to vector<256x1xf32>
    %select_n3A_173 = arith.select %or3A_169, %broadcast_in_dim3A_164, %select_n3A_140 : vector<256x1xi1>, vector<256x1xi32>
    %slice3A_174 = vector.extract_strided_slice %dot_general3A_10 {offsets = [0, 5120], sizes = [256, 1024], strides = [1, 1]} : vector<256x8192xf32> to vector<256x1024xf32>
    %mul3A_175 = arith.constant 2.000000e+00 : f32
    %mul3A_176 = vector.broadcast %mul3A_175 : f32 to vector<256x1024xf32>
    %mul3A_177 = arith.mulf %mul3A_176, %slice3A_174 : vector<256x1024xf32>
    %sub3A_178 = vector.broadcast %broadcast_in_dim3A : vector<256x1xf32> to vector<256x1024xf32>
    %sub3A_179 = arith.subf %sub3A_178, %mul3A_177 : vector<256x1024xf32>
    %slice3A_180 = vector.extract_strided_slice %get3A_14 {offsets = [0, 5120], sizes = [1, 1024], strides = [1, 1]} : vector<1x8192xf32> to vector<1x1024xf32>
    %add3A_181 = vector.broadcast %slice3A_180 : vector<1x1024xf32> to vector<256x1024xf32>
    %add3A_182 = arith.addf %sub3A_179, %add3A_181 : vector<256x1024xf32>
    %reduce_min3A_183 = arith.constant dense<0x7F800000> : vector<256xf32>
    %reduce_min3A_184 = vector.multi_reduction <minimumf>, %add3A_182, %reduce_min3A_183 [1] : vector<256x1024xf32> to vector<256xf32>
    %broadcast_in_dim3A_185 = vector.shape_cast %reduce_min3A_184 : vector<256xf32> to vector<256x1xf32>
    %iota3A_186 = tpu.iota {dimensions = array<i32: 1>} : vector<256x1024xi32>
    %add3A_187 = arith.constant 5120 : i32
    %add3A_188 = vector.broadcast %add3A_187 : i32 to vector<256x1024xi32>
    %add3A_189 = arith.addi %iota3A_186, %add3A_188 : vector<256x1024xi32>
    %eq3A_190 = vector.broadcast %broadcast_in_dim3A_185 : vector<256x1xf32> to vector<256x1024xf32>
    %eq3A_191 = arith.cmpf oeq, %add3A_182, %eq3A_190 : vector<256x1024xf32>
    %jit3A_192 = arith.constant 8192 : i32
    %broadcast_in_dim3A_193 = vector.broadcast %jit3A_192 : i32 to vector<256x1024xi32>
    %select_n3A_194 = arith.select %eq3A_191, %add3A_189, %broadcast_in_dim3A_193 : vector<256x1024xi1>, vector<256x1024xi32>
    %reduce_min3A_195 = arith.constant dense<2147483647> : vector<256xi32>
    %reduce_min3A_196 = vector.multi_reduction <minsi>, %select_n3A_194, %reduce_min3A_195 [1] : vector<256x1024xi32> to vector<256xi32>
    %broadcast_in_dim3A_197 = vector.shape_cast %reduce_min3A_196 : vector<256xi32> to vector<256x1xi32>
    %lt3A_198 = arith.cmpf olt, %broadcast_in_dim3A_185, %convert_element_type3A_172 : vector<256x1xf32>
    %eq3A_199 = arith.cmpf oeq, %broadcast_in_dim3A_185, %convert_element_type3A_172 : vector<256x1xf32>
    %lt3A_200 = arith.cmpi slt, %broadcast_in_dim3A_197, %select_n3A_173 : vector<256x1xi32>
    %and3A_201 = arith.andi %eq3A_199, %lt3A_200 : vector<256x1xi1>
    %or3A_202 = arith.ori %lt3A_198, %and3A_201 : vector<256x1xi1>
    %select_n3A_203 = arith.select %or3A_202, %broadcast_in_dim3A_185, %convert_element_type3A_172 : vector<256x1xi1>, vector<256x1xf32>
    %convert_element_type3A_204 = arith.truncf %select_n3A_203 : vector<256x1xf32> to vector<256x1xbf16>
    %convert_element_type3A_205 = arith.extf %convert_element_type3A_204 : vector<256x1xbf16> to vector<256x1xf32>
    %select_n3A_206 = arith.select %or3A_202, %broadcast_in_dim3A_197, %select_n3A_173 : vector<256x1xi1>, vector<256x1xi32>
    %slice3A_207 = vector.extract_strided_slice %dot_general3A_10 {offsets = [0, 6144], sizes = [256, 1024], strides = [1, 1]} : vector<256x8192xf32> to vector<256x1024xf32>
    %mul3A_208 = arith.constant 2.000000e+00 : f32
    %mul3A_209 = vector.broadcast %mul3A_208 : f32 to vector<256x1024xf32>
    %mul3A_210 = arith.mulf %mul3A_209, %slice3A_207 : vector<256x1024xf32>
    %sub3A_211 = vector.broadcast %broadcast_in_dim3A : vector<256x1xf32> to vector<256x1024xf32>
    %sub3A_212 = arith.subf %sub3A_211, %mul3A_210 : vector<256x1024xf32>
    %slice3A_213 = vector.extract_strided_slice %get3A_14 {offsets = [0, 6144], sizes = [1, 1024], strides = [1, 1]} : vector<1x8192xf32> to vector<1x1024xf32>
    %add3A_214 = vector.broadcast %slice3A_213 : vector<1x1024xf32> to vector<256x1024xf32>
    %add3A_215 = arith.addf %sub3A_212, %add3A_214 : vector<256x1024xf32>
    %reduce_min3A_216 = arith.constant dense<0x7F800000> : vector<256xf32>
    %reduce_min3A_217 = vector.multi_reduction <minimumf>, %add3A_215, %reduce_min3A_216 [1] : vector<256x1024xf32> to vector<256xf32>
    %broadcast_in_dim3A_218 = vector.shape_cast %reduce_min3A_217 : vector<256xf32> to vector<256x1xf32>
    %iota3A_219 = tpu.iota {dimensions = array<i32: 1>} : vector<256x1024xi32>
    %add3A_220 = arith.constant 6144 : i32
    %add3A_221 = vector.broadcast %add3A_220 : i32 to vector<256x1024xi32>
    %add3A_222 = arith.addi %iota3A_219, %add3A_221 : vector<256x1024xi32>
    %eq3A_223 = vector.broadcast %broadcast_in_dim3A_218 : vector<256x1xf32> to vector<256x1024xf32>
    %eq3A_224 = arith.cmpf oeq, %add3A_215, %eq3A_223 : vector<256x1024xf32>
    %jit3A_225 = arith.constant 8192 : i32
    %broadcast_in_dim3A_226 = vector.broadcast %jit3A_225 : i32 to vector<256x1024xi32>
    %select_n3A_227 = arith.select %eq3A_224, %add3A_222, %broadcast_in_dim3A_226 : vector<256x1024xi1>, vector<256x1024xi32>
    %reduce_min3A_228 = arith.constant dense<2147483647> : vector<256xi32>
    %reduce_min3A_229 = vector.multi_reduction <minsi>, %select_n3A_227, %reduce_min3A_228 [1] : vector<256x1024xi32> to vector<256xi32>
    %broadcast_in_dim3A_230 = vector.shape_cast %reduce_min3A_229 : vector<256xi32> to vector<256x1xi32>
    %lt3A_231 = arith.cmpf olt, %broadcast_in_dim3A_218, %convert_element_type3A_205 : vector<256x1xf32>
    %eq3A_232 = arith.cmpf oeq, %broadcast_in_dim3A_218, %convert_element_type3A_205 : vector<256x1xf32>
    %lt3A_233 = arith.cmpi slt, %broadcast_in_dim3A_230, %select_n3A_206 : vector<256x1xi32>
    %and3A_234 = arith.andi %eq3A_232, %lt3A_233 : vector<256x1xi1>
    %or3A_235 = arith.ori %lt3A_231, %and3A_234 : vector<256x1xi1>
    %select_n3A_236 = arith.select %or3A_235, %broadcast_in_dim3A_218, %convert_element_type3A_205 : vector<256x1xi1>, vector<256x1xf32>
    %convert_element_type3A_237 = arith.truncf %select_n3A_236 : vector<256x1xf32> to vector<256x1xbf16>
    %convert_element_type3A_238 = arith.extf %convert_element_type3A_237 : vector<256x1xbf16> to vector<256x1xf32>
    %select_n3A_239 = arith.select %or3A_235, %broadcast_in_dim3A_230, %select_n3A_206 : vector<256x1xi1>, vector<256x1xi32>
    %slice3A_240 = vector.extract_strided_slice %dot_general3A_10 {offsets = [0, 7168], sizes = [256, 1024], strides = [1, 1]} : vector<256x8192xf32> to vector<256x1024xf32>
    %mul3A_241 = arith.constant 2.000000e+00 : f32
    %mul3A_242 = vector.broadcast %mul3A_241 : f32 to vector<256x1024xf32>
    %mul3A_243 = arith.mulf %mul3A_242, %slice3A_240 : vector<256x1024xf32>
    %sub3A_244 = vector.broadcast %broadcast_in_dim3A : vector<256x1xf32> to vector<256x1024xf32>
    %sub3A_245 = arith.subf %sub3A_244, %mul3A_243 : vector<256x1024xf32>
    %slice3A_246 = vector.extract_strided_slice %get3A_14 {offsets = [0, 7168], sizes = [1, 1024], strides = [1, 1]} : vector<1x8192xf32> to vector<1x1024xf32>
    %add3A_247 = vector.broadcast %slice3A_246 : vector<1x1024xf32> to vector<256x1024xf32>
    %add3A_248 = arith.addf %sub3A_245, %add3A_247 : vector<256x1024xf32>
    %reduce_min3A_249 = arith.constant dense<0x7F800000> : vector<256xf32>
    %reduce_min3A_250 = vector.multi_reduction <minimumf>, %add3A_248, %reduce_min3A_249 [1] : vector<256x1024xf32> to vector<256xf32>
    %broadcast_in_dim3A_251 = vector.shape_cast %reduce_min3A_250 : vector<256xf32> to vector<256x1xf32>
    %iota3A_252 = tpu.iota {dimensions = array<i32: 1>} : vector<256x1024xi32>
    %add3A_253 = arith.constant 7168 : i32
    %add3A_254 = vector.broadcast %add3A_253 : i32 to vector<256x1024xi32>
    %add3A_255 = arith.addi %iota3A_252, %add3A_254 : vector<256x1024xi32>
    %eq3A_256 = vector.broadcast %broadcast_in_dim3A_251 : vector<256x1xf32> to vector<256x1024xf32>
    %eq3A_257 = arith.cmpf oeq, %add3A_248, %eq3A_256 : vector<256x1024xf32>
    %jit3A_258 = arith.constant 8192 : i32
    %broadcast_in_dim3A_259 = vector.broadcast %jit3A_258 : i32 to vector<256x1024xi32>
    %select_n3A_260 = arith.select %eq3A_257, %add3A_255, %broadcast_in_dim3A_259 : vector<256x1024xi1>, vector<256x1024xi32>
    %reduce_min3A_261 = arith.constant dense<2147483647> : vector<256xi32>
    %reduce_min3A_262 = vector.multi_reduction <minsi>, %select_n3A_260, %reduce_min3A_261 [1] : vector<256x1024xi32> to vector<256xi32>
    %broadcast_in_dim3A_263 = vector.shape_cast %reduce_min3A_262 : vector<256xi32> to vector<256x1xi32>
    %lt3A_264 = arith.cmpf olt, %broadcast_in_dim3A_251, %convert_element_type3A_238 : vector<256x1xf32>
    %eq3A_265 = arith.cmpf oeq, %broadcast_in_dim3A_251, %convert_element_type3A_238 : vector<256x1xf32>
    %lt3A_266 = arith.cmpi slt, %broadcast_in_dim3A_263, %select_n3A_239 : vector<256x1xi32>
    %and3A_267 = arith.andi %eq3A_265, %lt3A_266 : vector<256x1xi1>
    %or3A_268 = arith.ori %lt3A_264, %and3A_267 : vector<256x1xi1>
    %select_n3A_269 = arith.select %or3A_268, %broadcast_in_dim3A_251, %convert_element_type3A_238 : vector<256x1xi1>, vector<256x1xf32>
    %convert_element_type3A_270 = arith.truncf %select_n3A_269 : vector<256x1xf32> to vector<256x1xbf16>
    %convert_element_type3A_271 = arith.extf %convert_element_type3A_270 : vector<256x1xbf16> to vector<256x1xf32>
    %select_n3A_272 = arith.select %or3A_268, %broadcast_in_dim3A_263, %select_n3A_239 : vector<256x1xi1>, vector<256x1xi32>
    %squeeze3A = vector.shape_cast %select_n3A_272 : vector<256x1xi32> to vector<256xi32>
    %swap3A = arith.constant 0 : index
    %swap3A_273 = arith.constant 0 : index
    %swap3A_274 = arith.constant 0 : index
    %swap3A_275 = vector.load %arg5[%swap3A, %swap3A_273, %swap3A_274] : memref<1x1x256xi32, #tpu.memory_space<vmem>>, vector<1x1x256xi32>
    %swap3A_276 = vector.shape_cast %swap3A_275 : vector<1x1x256xi32> to vector<256xi32>
    %swap3A_277 = vector.shape_cast %squeeze3A : vector<256xi32> to vector<1x1x256xi32>
    tpu.vector_store %arg5[%swap3A, %swap3A_273, %swap3A_274], %swap3A_277 {strides = array<i32>} : memref<1x1x256xi32, #tpu.memory_space<vmem>>, vector<1x1x256xi32>,
    %get3A_278 = arith.constant 0 : index
    %get3A_279 = memref.load %arg9[%get3A_278] : memref<1xf32, #tpu.memory_space<smem>>
    %reduce_sum3A_280 = vector.shape_cast %convert_element_type3A_271 : vector<256x1xf32> to vector<1x256x1xf32>
    %reduce_sum3A_281 = arith.constant dense<0.000000e+00> : vector<1xf32>
    %reduce_sum3A_282 = vector.multi_reduction <add>, %reduce_sum3A_280, %reduce_sum3A_281 [1, 2] : vector<1x256x1xf32> to vector<1xf32>
    %reduce_sum3A_283 = vector.shape_cast %reduce_sum3A_282 : vector<1xf32> to vector<1x1x1xf32>
    %reduce_sum3A_284 = vector.extract %reduce_sum3A_283[0, 0, 0] : f32 from vector<1x1x1xf32>
    %add3A_285 = arith.addf %get3A_279, %reduce_sum3A_284 : f32
    %swap3A_286 = arith.constant 0 : index
    %swap3A_287 = memref.load %arg9[%swap3A_286] : memref<1xf32, #tpu.memory_space<smem>>
    memref.store %add3A_285, %arg9[%swap3A_286] : memref<1xf32, #tpu.memory_space<smem>>
    %iota3A_288 = tpu.iota {dimensions = array<i32: 1>} : vector<256x8192xi32>
    %get3A_289 = arith.constant 0 : index
    %get3A_290 = arith.constant 0 : index
    %get3A_291 = vector.load %arg8[%get3A_289, %get3A_290] : memref<1x8192xf32, #tpu.memory_space<vmem>>, vector<1x8192xf32>
    %broadcast_in_dim3A_292 = vector.shape_cast %squeeze3A : vector<256xi32> to vector<256x1xi32>
    %eq3A_293 = vector.broadcast %broadcast_in_dim3A_292 : vector<256x1xi32> to vector<256x8192xi32>
    %eq3A_294 = arith.cmpi eq, %iota3A_288, %eq3A_293 : vector<256x8192xi32>
    %convert_element_type3A_295 = arith.extui %eq3A_294 : vector<256x8192xi1> to vector<256x8192xi32>
    %convert_element_type3A_296 = arith.sitofp %convert_element_type3A_295 : vector<256x8192xi32> to vector<256x8192xf32>
    %reduce_sum3A_297 = arith.constant dense<0.000000e+00> : vector<8192xf32>
    %reduce_sum3A_298 = vector.multi_reduction <add>, %convert_element_type3A_296, %reduce_sum3A_297 [0] : vector<256x8192xf32> to vector<8192xf32>
    %broadcast_in_dim3A_299 = vector.shape_cast %reduce_sum3A_298 : vector<8192xf32> to vector<1x8192xf32>
    %add3A_300 = arith.addf %get3A_291, %broadcast_in_dim3A_299 : vector<1x8192xf32>
    %swap3A_301 = arith.constant 0 : index
    %swap3A_302 = arith.constant 0 : index
    %swap3A_303 = vector.load %arg8[%swap3A_301, %swap3A_302] : memref<1x8192xf32, #tpu.memory_space<vmem>>, vector<1x8192xf32>
    tpu.vector_store %arg8[%swap3A_301, %swap3A_302], %add3A_300 {strides = array<i32>} : memref<1x8192xf32, #tpu.memory_space<vmem>>, vector<1x8192xf32>,
    %eq3A_304 = arith.constant 63 : i32
    %eq3A_305 = arith.cmpi eq, %arg0, %eq3A_304 : i32
    %convert_element_type3A_306 = arith.extui %eq3A_305 : i1 to i32
    %cond3A_307 = arith.constant 0 : i32
    %cond3A_308 = arith.cmpi ne, %convert_element_type3A_306, %cond3A_307 : i32
    scf.if %cond3A_308 {
      %get3A_309 = arith.constant 0 : index
      %get3A_310 = memref.load %arg9[%get3A_309] : memref<1xf32, #tpu.memory_space<smem>>
      %div3A = arith.constant 0x4A800000 : f32
      %div3A_311 = arith.divf %get3A_310, %div3A : f32
      %swap3A_312 = arith.constant 0 : index
      %swap3A_313 = arith.constant 0 : index
      %swap3A_314 = memref.load %arg6[%swap3A_312, %swap3A_313] : memref<1x1xf32, #tpu.memory_space<smem>>
      memref.store %div3A_311, %arg6[%swap3A_312, %swap3A_313] : memref<1x1xf32, #tpu.memory_space<smem>>
      %get3A_315 = arith.constant 0 : index
      %get3A_316 = arith.constant 0 : index
      %get3A_317 = vector.load %arg8[%get3A_315, %get3A_316] : memref<1x8192xf32, #tpu.memory_space<vmem>>, vector<1x8192xf32>
      %mul3A_318 = arith.constant 6.10351563E-5 : f32
      %mul3A_319 = vector.broadcast %mul3A_318 : f32 to vector<1x8192xf32>
      %mul3A_320 = arith.mulf %get3A_317, %mul3A_319 : vector<1x8192xf32>
      %add3A_321 = arith.constant 1.000000e-10 : f32
      %add3A_322 = vector.broadcast %add3A_321 : f32 to vector<1x8192xf32>
      %add3A_323 = arith.addf %mul3A_320, %add3A_322 : vector<1x8192xf32>
      %log3A = math.log %add3A_323 : vector<1x8192xf32>
      %mul3A_324 = arith.mulf %mul3A_320, %log3A : vector<1x8192xf32>
      %reduce_sum3A_325 = vector.shape_cast %mul3A_324 : vector<1x8192xf32> to vector<1x1x8192xf32>
      %reduce_sum3A_326 = arith.constant dense<0.000000e+00> : vector<1xf32>
      %reduce_sum3A_327 = vector.multi_reduction <add>, %reduce_sum3A_325, %reduce_sum3A_326 [1, 2] : vector<1x1x8192xf32> to vector<1xf32>
      %reduce_sum3A_328 = vector.shape_cast %reduce_sum3A_327 : vector<1xf32> to vector<1x1x1xf32>
      %reduce_sum3A_329 = vector.extract %reduce_sum3A_328[0, 0, 0] : f32 from vector<1x1x1xf32>
      %neg3A = arith.constant 0.000000e+00 : f32
      %neg3A_330 = arith.subf %neg3A, %reduce_sum3A_329 : f32
      %exp3A = math.exp %neg3A_330 : f32
      %swap3A_331 = arith.constant 0 : index
      %swap3A_332 = arith.constant 0 : index
      %swap3A_333 = memref.load %arg7[%swap3A_331, %swap3A_332] : memref<1x1xf32, #tpu.memory_space<smem>>
      memref.store %exp3A, %arg7[%swap3A_331, %swap3A_332] : memref<1x1xf32, #tpu.memory_space<smem>>
    } else {
    }
    return
  }
  func.func @transform_0(%arg0: i32) -> (i32, i32) {
    %c0_i32 = arith.constant 0 : i32
    %c0_i32_0 = arith.constant 0 : i32
    return %arg0, %c0_i32 : i32, i32
  }
  func.func @transform_1(%arg0: i32) -> (i32, i32) {
    %c0_i32 = arith.constant 0 : i32
    %c0_i32_0 = arith.constant 0 : i32
    return %arg0, %c0_i32 : i32, i32
  }
  func.func @transform_2(%arg0: i32) -> (i32, i32) {
    %c0_i32 = arith.constant 0 : i32
    %c0_i32_0 = arith.constant 0 : i32
    %c0_i32_1 = arith.constant 0 : i32
    return %c0_i32, %c0_i32_0 : i32, i32
  }
  func.func @transform_3(%arg0: i32) -> (i32, i32) {
    %c0_i32 = arith.constant 0 : i32
    %c0_i32_0 = arith.constant 0 : i32
    %c0_i32_1 = arith.constant 0 : i32
    return %c0_i32, %c0_i32_0 : i32, i32
  }
  func.func @transform_4(%arg0: i32) -> (i32, i32, i32) {
    %c0_i32 = arith.constant 0 : i32
    %c0_i32_0 = arith.constant 0 : i32
    %c0_i32_1 = arith.constant 0 : i32
    return %arg0, %c0_i32, %c0_i32_0 : i32, i32, i32
  }
  func.func @transform_5(%arg0: i32) -> (i32, i32) {
    %c0_i32 = arith.constant 0 : i32
    %c0_i32_0 = arith.constant 0 : i32
    %c0_i32_1 = arith.constant 0 : i32
    return %c0_i32, %c0_i32_0 : i32, i32
  }
  func.func @transform_6(%arg0: i32) -> (i32, i32) {
    %c0_i32 = arith.constant 0 : i32
    %c0_i32_0 = arith.constant 0 : i32
    %c0_i32_1 = arith.constant 0 : i32
    return %c0_i32, %c0_i32_0 : i32, i32
  }
}

</mosaic_0001>

<sc_bundles>
// kernel: kernel.4.cloned.1.call-start
scs
__scs_entry_jumppad:
0x0: {  	(pc) =	sbr.rel $0x88, $3  }
0x1: {  	(tag) =	ssettag $0x0;
	lr =	simm.s32 $0x1  }
0x2: {  	[smem:$0x3F9F] =	sst lr;
	_ =	strace $0xD0000000  }
0x3: {  	_ = 	snop  }
0x4: {  	_ = 	snop  }
0x5: {  	_ = 	snop  }
0x6: {  	_ = 	snop  }
0x7: {  	_ = 	snop  }
__scs_overlays_trampoline_lowered:
0x8: {  	[smem:$0x3FAE] =	sst s0  }
0x9: {  	[smem:$0x3FAF] =	sst s1  }
0xa: {  	[smem:$0x3FB0] =	sst s2  }
0xb: {  	[smem:$0x3FB1] =	sst s3  }
0xc: {  	[smem:$0x3FB2] =	sst s4  }
0xd: {  	[smem:$0x3FB3] =	sst s5  }
0xe: {  	[smem:$0x3FB4] =	sst s6  }
0xf: {  	[smem:$0x3FB5] =	sst s7  }
0x10: {  	[smem:$0x3FB6] =	sst s8  }
0x11: {  	[smem:$0x3FB7] =	sst s9;
	s0 =	simm.s32 @!p0 $0x0  }
0x12: {  	s1 =	sld [smem:$0x3F9D];
	s0 =	simm.s32 @p0 $0x1  }
0x13: {  	[smem:$0x3FB8] =	sst s0;
	s0 =	simm.s32 @!p1 $0x0  }
0x14: {  	s2 =	sld [smem:$0x3F9C];
	s0 =	simm.s32 @p1 $0x1  }
0x15: {  	[smem:$0x3FB9] =	sst s0;
	s0 =	simm.s32 @!p2 $0x0  }
0x16: {  	s3 =	sld [smem:$0x3FDB];
	s0 =	simm.s32 @p2 $0x1  }
0x17: {  	s4 =	simm.s32 $0x1BF5;
	[smem:$0x3FBB] =	sst s0  }
0x18: {  	s0 =	sld [smem:$0x3F9E];
	_ =	swait.ge [sflag:s4], $0x0  }
0x19: {  	s7 =	sld [smem:$0x3F9F]  }
0x1a: {  	s8 =	sadd.s32 $0xFFFFE003, lr  }
0x1b: {  	s9 =	sadd.s32 $0xFFFFFEF7, lr;
	s5 =	simm.s32 $0xFFFFFFFF;
	p2 =	slt.u32 s8, $0xFFFFF086  }
0x1c: {  	p1 =	slt.u32 s9, $0xF7A;
	s5 =	simm.s32 @!p2 $0x0  }
0x1d: {  	s5 =	simm.s32 @p1 $0x1;
	p0 =	seq.s32 s7, s2  }
0x1e: {  	s7 =	smul.u32 @!p0 $0xF7A, s2;
	p2 =	seq.s32 @!p0 s5, $0x0  }
0x1f: {  	s9 =	smul.u32 $0xF7A, s1;
	s8 =	simm.s32 @!p0 $0x1BF5;
	p2 =	por !p2, p0  }
0x20: {  	[sflag:s8] =	ssyncset.s32 @!p0 $0xFFFFF086;
	s6 =	sadd.s32 @!p0 s3, s7;
	s7 =	simm.s32 @!p0 $0x108  }
0x21: {  	s3 =	sadd.s32 s3, s9;
	s6 =	sadd.s32 @!p0 $0x88, s6;
	s7 =	simm.s32 @p2 $0x1082  }
0x22: {  	[simem:s7], [sflag:s8] =	dma.local @!p0 [hbm:s6], $0xF7A  }
0x23: {  	s9 =	sor.u32 $0xD0000000, s2;
	s6 =	simm.s32 $0x108;
	_ =	swait.ge @!p0 [sflag:s8], $0x0  }
0x24: {  	s3 =	sadd.s32 $0x88, s3;
	s6 =	simm.s32 @!p1 $0x1082;
	[sflag:s4] =	ssyncset.s32 $0xFFFFF086  }
0x25: {  	[simem:s6], [sflag:s4] =	dma.local [hbm:s3], $0xF7A  }
0x26: {  	[smem:$0x3F9F] =	sst s1;
	(tag) =	ssettag s2;
	_ =	strace s9  }
0x27: {  	s1 =	sld [smem:$0x3FAF]  }
0x28: {  	s2 =	sld [smem:$0x3FB0]  }
0x29: {  	s4 =	sld [smem:$0x3FB2]  }
0x2a: {  	p0 =	seq.s32 s5, $0x0;
	s5 =	sld [smem:$0x3FB3]  }
0x2b: {  	s6 =	sld [smem:$0x3FB4]  }
0x2c: {  	s7 =	sld [smem:$0x3FB5]  }
0x2d: {  	s3 =	simm.s32 $0x108;
	s8 =	sld [smem:$0x3FB6]  }
0x2e: {  	s3 =	simm.s32 @!p0 $0x1082;
	s9 =	sld [smem:$0x3FB7]  }
0x2f: {  	lr =	sadd.s32 s0, s3;
	s0 =	sld [smem:$0x3FAE]  }
0x30: {  	s3 =	sld [smem:$0x3FB1]  }
0x31: {  	[smem:$0x3FBA] =	sst s10  }
0x32: {  	s10 =	sld [smem:$0x3FB8];
	_ =	sdelay $0x3  }
0x33: {  	p0 =	seq.s32 s10, $0x1;
	s10 =	sld [smem:$0x3FBA];
	_ =	sdelay $0x3  }
0x34: {  	[smem:$0x3FBA] =	sst s10  }
0x35: {  	s10 =	sld [smem:$0x3FB9];
	_ =	sdelay $0x3  }
0x36: {  	p1 =	seq.s32 s10, $0x1;
	s10 =	sld [smem:$0x3FBA];
	_ =	sdelay $0x3  }
0x37: {  	[smem:$0x3FBA] =	sst s10  }
0x38: {  	s10 =	sld [smem:$0x3FBB]  }
0x39: {  	_ = 	snop;
	(pc) =	sbr.ind lr, $3  }
0x3a: {  	_ = 	snop  }
0x3b: {  	_ = 	snop  }
0x3c: {  	p2 =	seq.s32 s10, $0x1;
	s10 =	sld [smem:$0x3FBA]  }
0x3d: {  	_ =	shalt  }
0x3e: {  	_ =	shalt  }
0x3f: {  	_ =	shalt  }
0x40: {  	_ =	shalt  }
0x41: {  	_ =	shalt  }
0x42: {  	_ =	shalt  }
0x43: {  	_ =	shalt  }
0x44: {  	_ =	shalt  }
0x45: {  	_ =	shalt  }
0x46: {  	_ =	shalt  }
0x47: {  	_ =	shalt  }
0x48: {  	_ =	shalt  }
0x49: {  	_ =	shalt  }
0x4a: {  	_ =	shalt  }
0x4b: {  	_ =	shalt  }
0x4c: {  	_ =	shalt  }
0x4d: {  	_ =	shalt  }
0x4e: {  	_ =	shalt  }
0x4f: {  	_ =	shalt  }
0x50: {  	_ =	shalt  }
0x51: {  	_ =	shalt  }
0x52: {  	_ =	shalt  }
0x53: {  	_ =	shalt  }
0x54: {  	_ =	shalt  }
0x55: {  	_ =	shalt  }
0x56: {  	_ =	shalt  }
0x57: {  	_ =	shalt  }
0x58: {  	_ =	shalt  }
0x59: {  	_ =	shalt  }
0x5a: {  	_ =	shalt  }
0x5b: {  	_ =	shalt  }
0x5c: {  	_ =	shalt  }
0x5d: {  	_ =	shalt  }
0x5e: {  	_ =	shalt  }
0x5f: {  	_ =	shalt  }
0x60: {  	_ =	shalt  }
0x61: {  	_ =	shalt  }
0x62: {  	_ =	shalt  }
0x63: {  	_ =	shalt  }
0x64: {  	_ =	shalt  }
0x65: {  	_ =	shalt  }
0x66: {  	_ =	shalt  }
0x67: {  	_ =	shalt  }
0x68: {  	_ =	shalt  }
0x69: {  	_ =	shalt  }
0x6a: {  	_ =	shalt  }
0x6b: {  	_ =	shalt  }
0x6c: {  	_ =	shalt  }
0x6d: {  	_ =	shalt  }
0x6e: {  	_ =	shalt  }
0x6f: {  	_ =	shalt  }
0x70: {  	_ =	shalt  }
0x71: {  	_ =	shalt  }
0x72: {  	_ =	shalt  }
0x73: {  	_ =	shalt  }
0x74: {  	_ =	shalt  }
0x75: {  	_ =	shalt  }
0x76: {  	_ =	shalt  }
0x77: {  	_ =	shalt  }
0x78: {  	_ =	shalt  }
0x79: {  	_ =	shalt  }
0x7a: {  	_ =	shalt  }
0x7b: {  	_ =	shalt  }
0x7c: {  	_ =	shalt  }
0x7d: {  	_ =	shalt  }
0x7e: {  	_ =	shalt  }
0x7f: {  	_ =	shalt  }
0x80: {  	_ =	shalt  }
0x81: {  	_ =	shalt  }
0x82: {  	_ =	shalt  }
0x83: {  	_ =	shalt  }
0x84: {  	_ =	shalt  }
0x85: {  	_ =	shalt  }
0x86: {  	_ =	shalt  }
0x87: {  	_ =	shalt  }
.Lfunc_end0:
.L_simem_size_0:
called_computation_lowered:
.L_overlay_start_0:
0x88: {  	s2 =	sld [smem:$0x3FD9]  }
0x89: {  	s3 =	sld [smem:$0x3FFE];
	_ =	sdelay $0x1  }
0x8a: {  	s1 =	srdreg.scid  }
0x8b: {  	s0 =	sand.u32 $0x1, s1  }
0x8c: {  	s14 =	sshll.u32 s0, $0xA;
	s2 =	sadd.s32 s3, s2  }
0x8d: {  	s2 =	sadd.s32 s2, s14  }
0x8e: {  	[smem:$0x3FC6] =	sst s2  }
0x8f: {  	_ = 	snop  }
0x90: {  	s2 =	sld [smem:$0x3FD0];
	_ =	sdelay $0x2  }
0x91: {  	s15 =	simm.s32 $0xA;
	s4 =	simm.s32 $0x10  }
0x92: {  	[smem:s4], [sflag:s15] =	dma.local [hbm:s2], $0x1  }
0x93: {  	_ =	swait.eq [sflag:s15], $0x1  }
0x94: {  	[sflag:s15] =	ssyncset.done $0x0  }
0x95: {  	[sflag:s15] =	ssyncadd.s32 $0xFFFFFFFF  }
0x96: {  	s16 =	sld [smem:$0x10];
	(tm) =	ssettm $0x1  }
0x97: {  	s17 =	sld [smem:$0x3FFB];
	_ =	sdelay $0x3  }
0x98: {  	_ =	strace s17  }
0x99: {  	s3 =	sld [smem:$0x3FFC];
	_ =	sdelay $0x3  }
0x9a: {  	_ =	strace s3  }
0x9b: {  	s3 =	sld [smem:$0x3FFD];
	_ =	sdelay $0x3  }
0x9c: {  	_ =	strace s3  }
0x9d: {  	_ =	strace $0x8FFFFFFF  }
0x9e: {  	s18 =	sld [smem:$0x3FDB];
	_ =	sdelay $0x1  }
0x9f: {  	s19 =	simm.s32 $_scs_section_size  }
0xa0: {  	s5 =	simm.s32 $_size__tile_overlayer_lowered;
	s6 =	simm.s32 $_tile_overlayer_lowered  }
0xa1: {  	s22 =	simm.s32 $0x1BFF;
	s21 =	sshll.u32 s6, $0x1;
	s3 =	sadd.s32 s19, s18  }
0xa2: {  	s7 =	simm.s32 $0x0;
	s20 =	sshll.u32 s5, $0x1;
	s5 =	sadd.s32 s21, s3  }
0xa3: {  	[timem:s7], [sflag:s22] =	dma.local [hbm:s5], s20  }
0xa4: {  	_ =	swait.ge [sflag:s22], s20  }
0xa5: {  	s4 =	ssub.s32 $0x0, s20;
	[sflag:s22] =	ssyncset.done $0x0  }
0xa6: {  	[sflag:s22] =	ssyncadd.s32 s4;
	_ =	sdelay $0x1  }
0xa7: {  	s23 =	simm.s32 $0x1B8B  }
0xa8: {  	_ =	swait.ge [sflag:s23], $0x1  }
0xa9: {  	[sflag:s23] =	ssyncset.done $0x0  }
0xaa: {  	s25 =	simm.s32 $0x1B8E;
	s24 =	sld [smem:$0x3FFE];
	[sflag:s23] =	ssyncadd.s32 $0xFFFFFFFF  }
0xab: {  	s26 =	simm.s32 $execute0_lowered;
	[smem:$0x3FD2] =	sst s25  }
0xac: {  	s5 =	sshll.u32 s26, $0x1;
	_ =	strace $0x80000046;
	[dreg:$0x1] =	wrdreg $0xFFFFFFFF  }
0xad: {  	s28 =	simm.s32 $_size_execute0_lowered;
	s3 =	sadd.s32 s3, s5;
	[dreg:$0x0] =	wrdreg $0x0  }
0xae: {  	s5 =	sshll.u32 s28, $0x1;
	[dreg:$0x2] =	wrdreg s3  }
0xaf: {  	[dreg:$0x3] =	wrdreg s5  }
0xb0: {  	[dreg:$0x4] =	wrdreg $0xC0  }
0xb1: {  	_ =	task [dreg:s7], $0x5FFFF  }
0xb2: {  	[dreg:$0x1] =	wrdreg $0xFFFFFFFF  }
0xb3: {  	[dreg:$0x0] =	wrdreg $0x60  }
0xb4: {  	[dreg:$0x2] =	wrdreg s24  }
0xb5: {  	[dreg:$0x3] =	wrdreg s16  }
0xb6: {  	[dreg:$0x4] =	wrdreg $0x9  }
0xb7: {  	_ =	task.clear_ibuf [dreg:s7], $0x5FFFF;
	_ =	strace $0x90000046  }
0xb8: {  	s29 =	simm.s32 $0x9;
	_ =	strace $0x80000048  }
0xb9: {  	_ =	swait.ge [sflag:s29], $0x1  }
0xba: {  	[sflag:s29] =	ssyncadd.s32 $0xFFFFFFFF  }
0xbb: {  	_ =	strace $0x90000048  }
0xbc: {  	_ =	sfence  }
0xbd: {  	s30 =	sld [smem:$0x0];
	_ =	sdelay $0x2  }
0xbe: {  	s31 =	sshll.u32 s1, $0xD;
	s1 =	sshrl.u32 s1, $0x2  }
0xbf: {  	s3 =	sand.u32 $0x4000, s31;
	s1 =	sadd.s32 s1, s30  }
0xc0: {  	s0 =	sor.u32 s3, s0;
	s1 =	sshll.u32 s1, $0x11  }
0xc1: {  	s0 =	sor.u32 s1, s0  }
0xc2: {  	s0 =	sadd.s32 $0x8F2B, s0  }
0xc3: {  	[sflag:s0] =	ssyncadd.remote.s32 $0x1  }
0xc4: {  	_ =	sfence.sel $0xFFFF  }
0xc5: {  	[dreg:$0x0] =	wrdreg $0xFFFFFFFF;
	(pc) =	sbr.abs _section_cstart, $3  }
0xc6: {  	[dreg:$0x1] =	wrdreg $0xFFFFFFFF  }
0xc7: {  	_ =	task.clear_ibuf [dreg:s7], $0x2FFFF;
	_ =	strace $0x9FFFFFFF  }
0xc8: {  	(tm) =	ssettm $0x7FFFFFFF  }
0xc9: {  	_ =	shalt  }
tec
execute0_lowered:
.L_overlay_start_1:
0x0: {  	(tag) =	ssettag $0x1  }
0x1: {  	s0 =	rddreg [dreg:$0x0]  }
0x2: {  	s1 =	rddreg [dreg:$0x1]  }
0x3: {  	s2 =	srdreg.scid;
	s3 =	stileid.u32;
	s14 =	simm.s32 $0x1  }
0x4: {  	s16 =	simm.s32 $0x1200;
	s17 =	simm.s32 $0x1A00;
	s18 =	simm.s32 $0x2200  }
0x5: {  	s19 =	simm.s32 $0x2A00;
	s21 =	simm.s32 $0x3A00;
	s28 =	simm.s32 $0x6A00  }
0x6: {  	s29 =	simm.s32 $0x7200;
	s30 =	simm.s32 $0x7A00;
	s31 =	simm.s32 $0x8200  }
0x7: {  	s8 =	simm.s32 $0x9A00;
	s9 =	simm.s32 $0xA200;
	s10 =	simm.s32 $0xAA00  }
0x8: {  	s11 =	simm.s32 $0xB200;
	s12 =	simm.s32 $0xBA00;
	s13 =	simm.s32 $0xC200  }
0x9: {  	s7 =	simm.s32 $0xCA00;
	s4 =	sand.u32 $0x1, s2;
	s2 =	simm.s32 $0x0  }
0xa: {  	s3 =	sshll.u32 s3, $0xA;
	s5 =	sshll.u32 s4, $0x9;
	[smem:$0x7FF] =	sst s2  }
0xb: {  	s22 =	ssub.s32 $0x2, s4;
	s5 =	sor.u32 s5, s3;
	_ =	strace $0x80000047  }
0xc: {  	s3 =	sadd.s32 $0xA00, s0;
	s24 =	sshrl.u32 s22, $0x1;
	s6 =	sshrl.u32 s5, $0x3  }
0xd: {  	s23 =	sshll.u32 s5, $0x5;
	s25 =	ssub.s32 s22, s24;
	s22 =	simm.s32 $0x4200  }
0xe: {  	s24 =	simm.s32 $0x5200;
	s0 =	sadd.s32 s6, s0;
	s4 =	sadd.s32 s1, s23  }
0xf: {  	s5 =	smax.u32 s25, $0x1;
	s6 =	simm.s32 $0x2;
	s23 =	simm.s32 $0x4A00  }
0x10: {  	v2 =	vlaneseq.u32;
	s25 =	simm.s32 $0x5A00;
	s0 =	sadd.s32 $0x40A00, s0;
	[dreg:$0x5] =	wrdreg s4  }
0x11: {  	vm0 =	vmmov $0xffff;
	v1 =	vshrl.u32 v2, $0x3;
	s1 =	simm.s32 $0x9200;
	s26 =	sadd.s32 $0x2000, s4;
	[dreg:$0x3] =	wrdreg s0  }
0x12: {  	v0 =	vand.u32 $0x7, v2;
	v2 =	vor.u32 $0x8, v2;
	v1 =	vmul.u32 $0x8, v1;
	s4 =	simm.s32 $0x3200;
	[dreg:$0x4] =	wrdreg s26;
	s26 =	simm.s32 $0x6200  }
.LBB2_1:
0x13: {  	s15 =	rddreg [dreg:$0x3]  }
0x14: {  	[tilespmem:s2], [sflag:$0x2] =	stream.linear.gather [hbm4b:s15+s2], $0x200, $0x38;
	[tilespmem:$0x10200] =	vst v63  }
0x15: {  	_ =	swait.ge [sflag:s6], $0x200  }
0x16: {  	[sflag:s6] =	ssyncset.done $0x0  }
0x17: {  	[sflag:s6] =	ssyncadd.s32 $0xFFFFFE00  }
0x18: {  	v3 =	vld [tilespmem:$0x0];
	_ =	sdelay $0x4  }
0x19: {  	v4 =	vshll.u32 v3, $0x1  }
0x1a: {  	v3 =	vand.u32 $0x7, v3;
	v4 =	vand.u32 $0xFFFFFFF0, v4  }
0x1b: {  	v3 =	vor.u32 v3, v4  }
0x1c: {  	v4 =	vperm.xlane v3, v0;
	_ =	sdelay $0x1  }
0x1d: {  	v3 =	vperm.xlane v3, v2;
	v4 =	vadd.s32 v1, v4;
	_ =	sdelay $0x1  }
0x1e: {  	v3 =	vadd.s32 v1, v3;
	_ =	sdelay $0x1  }
0x1f: {  	s0 =	simm.s32 $0x200  }
0x20: {  	[tilespmem:s0], [sflag:$0x1] =	stream.indirect_vreg.gather [hbm4b:s3+s2], $0x80, v4, vm0, $0xb8;
	[tilespmem:$0x10200] =	vst v63  }
0x21: {  	s15 =	simm.s32 $0xA00  }
0x22: {  	[tilespmem:s15], [sflag:$0x1] =	stream.indirect_vreg.gather [hbm4b:s3+s2], $0x80, v3, vm0, $0xb8;
	[tilespmem:$0x10200] =	vst v63  }
0x23: {  	v3 =	vld [tilespmem:$0x10];
	_ =	sdelay $0x4  }
0x24: {  	v33 =	vshll.u32 v3, $0x1  }
0x25: {  	v3 =	vand.u32 $0x7, v3;
	v4 =	vand.u32 $0xFFFFFFF0, v33  }
0x26: {  	v3 =	vor.u32 v3, v4  }
0x27: {  	v4 =	vperm.xlane v3, v0;
	_ =	sdelay $0x1  }
0x28: {  	v3 =	vperm.xlane v3, v2;
	v4 =	vadd.s32 v1, v4;
	_ =	sdelay $0x1  }
0x29: {  	v3 =	vadd.s32 v1, v3;
	_ =	sdelay $0x2  }
0x2a: {  	[tilespmem:s16], [sflag:$0x1] =	stream.indirect_vreg.gather [hbm4b:s3+s2], $0x80, v4, vm0, $0xb8;
	[tilespmem:$0x10200] =	vst v63  }
0x2b: {  	_ = 	snop  }
0x2c: {  	[tilespmem:s17], [sflag:$0x1] =	stream.indirect_vreg.gather [hbm4b:s3+s2], $0x80, v3, vm0, $0xb8;
	[tilespmem:$0x10200] =	vst v63  }
0x2d: {  	v3 =	vld [tilespmem:$0x20];
	_ =	sdelay $0x4  }
0x2e: {  	v34 =	vshll.u32 v3, $0x1  }
0x2f: {  	v3 =	vand.u32 $0x7, v3;
	v4 =	vand.u32 $0xFFFFFFF0, v34  }
0x30: {  	v3 =	vor.u32 v3, v4  }
0x31: {  	v4 =	vperm.xlane v3, v0;
	_ =	sdelay $0x1  }
0x32: {  	v3 =	vperm.xlane v3, v2;
	v4 =	vadd.s32 v1, v4;
	_ =	sdelay $0x1  }
0x33: {  	v3 =	vadd.s32 v1, v3;
	_ =	sdelay $0x2  }
0x34: {  	[tilespmem:s18], [sflag:$0x1] =	stream.indirect_vreg.gather [hbm4b:s3+s2], $0x80, v4, vm0, $0xb8;
	[tilespmem:$0x10200] =	vst v63  }
0x35: {  	_ = 	snop  }
0x36: {  	[tilespmem:s19], [sflag:$0x1] =	stream.indirect_vreg.gather [hbm4b:s3+s2], $0x80, v3, vm0, $0xb8;
	[tilespmem:$0x10200] =	vst v63  }
0x37: {  	v3 =	vld [tilespmem:$0x30];
	_ =	sdelay $0x4  }
0x38: {  	v35 =	vshll.u32 v3, $0x1  }
0x39: {  	v3 =	vand.u32 $0x7, v3;
	v4 =	vand.u32 $0xFFFFFFF0, v35  }
0x3a: {  	v3 =	vor.u32 v3, v4  }
0x3b: {  	v4 =	vperm.xlane v3, v0;
	_ =	sdelay $0x1  }
0x3c: {  	v3 =	vperm.xlane v3, v2;
	v4 =	vadd.s32 v1, v4;
	_ =	sdelay $0x1  }
0x3d: {  	v3 =	vadd.s32 v1, v3;
	_ =	sdelay $0x2  }
0x3e: {  	[tilespmem:s4], [sflag:$0x1] =	stream.indirect_vreg.gather [hbm4b:s3+s2], $0x80, v4, vm0, $0xb8;
	[tilespmem:$0x10200] =	vst v63  }
0x3f: {  	_ = 	snop  }
0x40: {  	[tilespmem:s21], [sflag:$0x1] =	stream.indirect_vreg.gather [hbm4b:s3+s2], $0x80, v3, vm0, $0xb8;
	[tilespmem:$0x10200] =	vst v63  }
0x41: {  	v3 =	vld [tilespmem:$0x40];
	_ =	sdelay $0x4  }
0x42: {  	v36 =	vshll.u32 v3, $0x1  }
0x43: {  	v3 =	vand.u32 $0x7, v3;
	v4 =	vand.u32 $0xFFFFFFF0, v36  }
0x44: {  	v3 =	vor.u32 v3, v4  }
0x45: {  	v4 =	vperm.xlane v3, v0;
	_ =	sdelay $0x1  }
0x46: {  	v3 =	vperm.xlane v3, v2;
	v4 =	vadd.s32 v1, v4;
	_ =	sdelay $0x1  }
0x47: {  	v3 =	vadd.s32 v1, v3;
	_ =	sdelay $0x2  }
0x48: {  	[tilespmem:s22], [sflag:$0x1] =	stream.indirect_vreg.gather [hbm4b:s3+s2], $0x80, v4, vm0, $0xb8;
	[tilespmem:$0x10200] =	vst v63  }
0x49: {  	_ = 	snop  }
0x4a: {  	[tilespmem:s23], [sflag:$0x1] =	stream.indirect_vreg.gather [hbm4b:s3+s2], $0x80, v3, vm0, $0xb8;
	[tilespmem:$0x10200] =	vst v63  }
0x4b: {  	v3 =	vld [tilespmem:$0x50];
	_ =	sdelay $0x4  }
0x4c: {  	v37 =	vshll.u32 v3, $0x1  }
0x4d: {  	v3 =	vand.u32 $0x7, v3;
	v4 =	vand.u32 $0xFFFFFFF0, v37  }
0x4e: {  	v3 =	vor.u32 v3, v4  }
0x4f: {  	v4 =	vperm.xlane v3, v0;
	_ =	sdelay $0x1  }
0x50: {  	v3 =	vperm.xlane v3, v2;
	v4 =	vadd.s32 v1, v4;
	_ =	sdelay $0x1  }
0x51: {  	v3 =	vadd.s32 v1, v3;
	_ =	sdelay $0x2  }
0x52: {  	[tilespmem:s24], [sflag:$0x1] =	stream.indirect_vreg.gather [hbm4b:s3+s2], $0x80, v4, vm0, $0xb8;
	[tilespmem:$0x10200] =	vst v63  }
0x53: {  	_ = 	snop  }
0x54: {  	[tilespmem:s25], [sflag:$0x1] =	stream.indirect_vreg.gather [hbm4b:s3+s2], $0x80, v3, vm0, $0xb8;
	[tilespmem:$0x10200] =	vst v63  }
0x55: {  	v3 =	vld [tilespmem:$0x60];
	_ =	sdelay $0x4  }
0x56: {  	v38 =	vshll.u32 v3, $0x1  }
0x57: {  	v3 =	vand.u32 $0x7, v3;
	v4 =	vand.u32 $0xFFFFFFF0, v38  }
0x58: {  	v3 =	vor.u32 v3, v4  }
0x59: {  	v4 =	vperm.xlane v3, v0;
	_ =	sdelay $0x1  }
0x5a: {  	v3 =	vperm.xlane v3, v2;
	v4 =	vadd.s32 v1, v4;
	_ =	sdelay $0x1  }
0x5b: {  	v3 =	vadd.s32 v1, v3;
	_ =	sdelay $0x2  }
0x5c: {  	[tilespmem:s26], [sflag:$0x1] =	stream.indirect_vreg.gather [hbm4b:s3+s2], $0x80, v4, vm0, $0xb8;
	[tilespmem:$0x10200] =	vst v63  }
0x5d: {  	_ = 	snop  }
0x5e: {  	[tilespmem:s28], [sflag:$0x1] =	stream.indirect_vreg.gather [hbm4b:s3+s2], $0x80, v3, vm0, $0xb8;
	[tilespmem:$0x10200] =	vst v63  }
0x5f: {  	v3 =	vld [tilespmem:$0x70];
	_ =	sdelay $0x4  }
0x60: {  	v39 =	vshll.u32 v3, $0x1  }
0x61: {  	v3 =	vand.u32 $0x7, v3;
	v4 =	vand.u32 $0xFFFFFFF0, v39  }
0x62: {  	v3 =	vor.u32 v3, v4  }
0x63: {  	v4 =	vperm.xlane v3, v0;
	_ =	sdelay $0x1  }
0x64: {  	v3 =	vperm.xlane v3, v2;
	v4 =	vadd.s32 v1, v4;
	_ =	sdelay $0x1  }
0x65: {  	v3 =	vadd.s32 v1, v3;
	_ =	sdelay $0x2  }
0x66: {  	[tilespmem:s29], [sflag:$0x1] =	stream.indirect_vreg.gather [hbm4b:s3+s2], $0x80, v4, vm0, $0xb8;
	[tilespmem:$0x10200] =	vst v63  }
0x67: {  	_ = 	snop  }
0x68: {  	[tilespmem:s30], [sflag:$0x1] =	stream.indirect_vreg.gather [hbm4b:s3+s2], $0x80, v3, vm0, $0xb8;
	[tilespmem:$0x10200] =	vst v63  }
0x69: {  	v3 =	vld [tilespmem:$0x80];
	_ =	sdelay $0x4  }
0x6a: {  	v40 =	vshll.u32 v3, $0x1  }
0x6b: {  	v3 =	vand.u32 $0x7, v3;
	v4 =	vand.u32 $0xFFFFFFF0, v40  }
0x6c: {  	v3 =	vor.u32 v3, v4  }
0x6d: {  	v4 =	vperm.xlane v3, v0;
	_ =	sdelay $0x1  }
0x6e: {  	v3 =	vperm.xlane v3, v2;
	v4 =	vadd.s32 v1, v4;
	_ =	sdelay $0x1  }
0x6f: {  	v3 =	vadd.s32 v1, v3;
	_ =	sdelay $0x2  }
0x70: {  	[tilespmem:s31], [sflag:$0x1] =	stream.indirect_vreg.gather [hbm4b:s3+s2], $0x80, v4, vm0, $0xb8;
	[tilespmem:$0x10200] =	vst v63  }
0x71: {  	s20 =	simm.s32 $0x8A00  }
0x72: {  	[tilespmem:s20], [sflag:$0x1] =	stream.indirect_vreg.gather [hbm4b:s3+s2], $0x80, v3, vm0, $0xb8;
	[tilespmem:$0x10200] =	vst v63  }
0x73: {  	v3 =	vld [tilespmem:$0x90];
	_ =	sdelay $0x4  }
0x74: {  	v41 =	vshll.u32 v3, $0x1  }
0x75: {  	v3 =	vand.u32 $0x7, v3;
	v4 =	vand.u32 $0xFFFFFFF0, v41  }
0x76: {  	v3 =	vor.u32 v3, v4  }
0x77: {  	v4 =	vperm.xlane v3, v0;
	_ =	sdelay $0x1  }
0x78: {  	v3 =	vperm.xlane v3, v2;
	v4 =	vadd.s32 v1, v4;
	_ =	sdelay $0x1  }
0x79: {  	v3 =	vadd.s32 v1, v3;
	_ =	sdelay $0x2  }
0x7a: {  	[tilespmem:s1], [sflag:$0x1] =	stream.indirect_vreg.gather [hbm4b:s3+s2], $0x80, v4, vm0, $0xb8;
	[tilespmem:$0x10200] =	vst v63  }
0x7b: {  	_ = 	snop  }
0x7c: {  	[tilespmem:s8], [sflag:$0x1] =	stream.indirect_vreg.gather [hbm4b:s3+s2], $0x80, v3, vm0, $0xb8;
	[tilespmem:$0x10200] =	vst v63  }
0x7d: {  	v3 =	vld [tilespmem:$0xA0];
	_ =	sdelay $0x4  }
0x7e: {  	v42 =	vshll.u32 v3, $0x1  }
0x7f: {  	v3 =	vand.u32 $0x7, v3;
	v4 =	vand.u32 $0xFFFFFFF0, v42  }
0x80: {  	v3 =	vor.u32 v3, v4  }
0x81: {  	v4 =	vperm.xlane v3, v0;
	_ =	sdelay $0x1  }
0x82: {  	v3 =	vperm.xlane v3, v2;
	v4 =	vadd.s32 v1, v4;
	_ =	sdelay $0x1  }
0x83: {  	v3 =	vadd.s32 v1, v3;
	_ =	sdelay $0x2  }
0x84: {  	[tilespmem:s9], [sflag:$0x1] =	stream.indirect_vreg.gather [hbm4b:s3+s2], $0x80, v4, vm0, $0xb8;
	[tilespmem:$0x10200] =	vst v63  }
0x85: {  	_ = 	snop  }
0x86: {  	[tilespmem:s10], [sflag:$0x1] =	stream.indirect_vreg.gather [hbm4b:s3+s2], $0x80, v3, vm0, $0xb8;
	[tilespmem:$0x10200] =	vst v63  }
0x87: {  	v3 =	vld [tilespmem:$0xB0];
	_ =	sdelay $0x4  }
0x88: {  	v43 =	vshll.u32 v3, $0x1  }
0x89: {  	v3 =	vand.u32 $0x7, v3;
	v4 =	vand.u32 $0xFFFFFFF0, v43  }
0x8a: {  	v3 =	vor.u32 v3, v4  }
0x8b: {  	v4 =	vperm.xlane v3, v0;
	_ =	sdelay $0x1  }
0x8c: {  	v3 =	vperm.xlane v3, v2;
	v4 =	vadd.s32 v1, v4;
	_ =	sdelay $0x1  }
0x8d: {  	v3 =	vadd.s32 v1, v3;
	_ =	sdelay $0x2  }
0x8e: {  	[tilespmem:s11], [sflag:$0x1] =	stream.indirect_vreg.gather [hbm4b:s3+s2], $0x80, v4, vm0, $0xb8;
	[tilespmem:$0x10200] =	vst v63  }
0x8f: {  	_ = 	snop  }
0x90: {  	[tilespmem:s12], [sflag:$0x1] =	stream.indirect_vreg.gather [hbm4b:s3+s2], $0x80, v3, vm0, $0xb8;
	[tilespmem:$0x10200] =	vst v63  }
0x91: {  	v3 =	vld [tilespmem:$0xC0];
	_ =	sdelay $0x4  }
0x92: {  	v44 =	vshll.u32 v3, $0x1  }
0x93: {  	v3 =	vand.u32 $0x7, v3;
	v4 =	vand.u32 $0xFFFFFFF0, v44  }
0x94: {  	v3 =	vor.u32 v3, v4  }
0x95: {  	v4 =	vperm.xlane v3, v0;
	_ =	sdelay $0x1  }
0x96: {  	v3 =	vperm.xlane v3, v2;
	v4 =	vadd.s32 v1, v4;
	_ =	sdelay $0x1  }
0x97: {  	v3 =	vadd.s32 v1, v3;
	_ =	sdelay $0x2  }
0x98: {  	[tilespmem:s13], [sflag:$0x1] =	stream.indirect_vreg.gather [hbm4b:s3+s2], $0x80, v4, vm0, $0xb8;
	[tilespmem:$0x10200] =	vst v63  }
0x99: {  	_ = 	snop  }
0x9a: {  	[tilespmem:s7], [sflag:$0x1] =	stream.indirect_vreg.gather [hbm4b:s3+s2], $0x80, v3, vm0, $0xb8;
	[tilespmem:$0x10200] =	vst v63  }
0x9b: {  	v3 =	vld [tilespmem:$0xD0];
	_ =	sdelay $0x4  }
0x9c: {  	v45 =	vshll.u32 v3, $0x1  }
0x9d: {  	v3 =	vand.u32 $0x7, v3;
	v4 =	vand.u32 $0xFFFFFFF0, v45  }
0x9e: {  	v3 =	vor.u32 v3, v4  }
0x9f: {  	v4 =	vperm.xlane v3, v0;
	_ =	sdelay $0x1  }
0xa0: {  	v3 =	vperm.xlane v3, v2;
	v4 =	vadd.s32 v1, v4;
	_ =	sdelay $0x1  }
0xa1: {  	v3 =	vadd.s32 v1, v3;
	_ =	sdelay $0x1  }
0xa2: {  	s20 =	simm.s32 $0xD200  }
0xa3: {  	[tilespmem:s20], [sflag:$0x1] =	stream.indirect_vreg.gather [hbm4b:s3+s2], $0x80, v4, vm0, $0xb8;
	[tilespmem:$0x10200] =	vst v63  }
0xa4: {  	s20 =	simm.s32 $0xDA00  }
0xa5: {  	[tilespmem:s20], [sflag:$0x1] =	stream.indirect_vreg.gather [hbm4b:s3+s2], $0x80, v3, vm0, $0xb8;
	[tilespmem:$0x10200] =	vst v63  }
0xa6: {  	v3 =	vld [tilespmem:$0xE0];
	_ =	sdelay $0x4  }
0xa7: {  	v46 =	vshll.u32 v3, $0x1  }
0xa8: {  	v3 =	vand.u32 $0x7, v3;
	v4 =	vand.u32 $0xFFFFFFF0, v46  }
0xa9: {  	v3 =	vor.u32 v3, v4  }
0xaa: {  	v4 =	vperm.xlane v3, v0;
	_ =	sdelay $0x1  }
0xab: {  	v3 =	vperm.xlane v3, v2;
	v4 =	vadd.s32 v1, v4;
	_ =	sdelay $0x1  }
0xac: {  	v3 =	vadd.s32 v1, v3;
	_ =	sdelay $0x1  }
0xad: {  	s20 =	simm.s32 $0xE200  }
0xae: {  	[tilespmem:s20], [sflag:$0x1] =	stream.indirect_vreg.gather [hbm4b:s3+s2], $0x80, v4, vm0, $0xb8;
	[tilespmem:$0x10200] =	vst v63  }
0xaf: {  	s20 =	simm.s32 $0xEA00  }
0xb0: {  	[tilespmem:s20], [sflag:$0x1] =	stream.indirect_vreg.gather [hbm4b:s3+s2], $0x80, v3, vm0, $0xb8;
	[tilespmem:$0x10200] =	vst v63  }
0xb1: {  	v3 =	vld [tilespmem:$0xF0];
	_ =	sdelay $0x4  }
0xb2: {  	v47 =	vshll.u32 v3, $0x1  }
0xb3: {  	v3 =	vand.u32 $0x7, v3;
	v4 =	vand.u32 $0xFFFFFFF0, v47  }
0xb4: {  	v3 =	vor.u32 v3, v4  }
0xb5: {  	v4 =	vperm.xlane v3, v0;
	_ =	sdelay $0x1  }
0xb6: {  	v3 =	vperm.xlane v3, v2;
	v4 =	vadd.s32 v1, v4;
	_ =	sdelay $0x1  }
0xb7: {  	v3 =	vadd.s32 v1, v3;
	_ =	sdelay $0x1  }
0xb8: {  	s20 =	simm.s32 $0xF200  }
0xb9: {  	[tilespmem:s20], [sflag:$0x1] =	stream.indirect_vreg.gather [hbm4b:s3+s2], $0x80, v4, vm0, $0xb8;
	[tilespmem:$0x10200] =	vst v63  }
0xba: {  	s20 =	simm.s32 $0xFA00  }
0xbb: {  	[tilespmem:s20], [sflag:$0x1] =	stream.indirect_vreg.gather [hbm4b:s3+s2], $0x80, v3, vm0, $0xb8;
	[tilespmem:$0x10200] =	vst v63  }
0xbc: {  	_ =	swait.ge [sflag:s14], $0x10000  }
0xbd: {  	[sflag:s14] =	ssyncset.done $0x0  }
0xbe: {  	s0 =	simm.s32 $0x200;
	s20 =	rddreg [dreg:$0x5];
	[sflag:s14] =	ssyncadd.s32 $0xFFFF0000  }
0xbf: {  	[hbm4b:s20+s2] =	stream.linear.scatter [tilespmem:s0], [sflag:$0x2], $0x10000, $0x38;
	[tilespmem:$0x10200] =	vst v63  }
0xc0: {  	_ =	swait.ge [sflag:s6], $0x10000  }
0xc1: {  	[sflag:s6] =	ssyncset.done $0x0  }
0xc2: {  	[sflag:s6] =	ssyncadd.s32 $0xFFFF0000  }
0xc3: {  	v3 =	vld [tilespmem:$0x100];
	_ =	sdelay $0x4  }
0xc4: {  	v48 =	vshll.u32 v3, $0x1  }
0xc5: {  	v3 =	vand.u32 $0x7, v3;
	v4 =	vand.u32 $0xFFFFFFF0, v48  }
0xc6: {  	v3 =	vor.u32 v3, v4  }
0xc7: {  	v4 =	vperm.xlane v3, v0;
	_ =	sdelay $0x1  }
0xc8: {  	v3 =	vperm.xlane v3, v2;
	v4 =	vadd.s32 v1, v4;
	_ =	sdelay $0x1  }
0xc9: {  	v3 =	vadd.s32 v1, v3;
	_ =	sdelay $0x2  }
0xca: {  	[tilespmem:s0], [sflag:$0x1] =	stream.indirect_vreg.gather [hbm4b:s3+s2], $0x80, v4, vm0, $0xb8;
	[tilespmem:$0x10200] =	vst v63  }
0xcb: {  	_ = 	snop  }
0xcc: {  	[tilespmem:s15], [sflag:$0x1] =	stream.indirect_vreg.gather [hbm4b:s3+s2], $0x80, v3, vm0, $0xb8;
	[tilespmem:$0x10200] =	vst v63  }
0xcd: {  	v3 =	vld [tilespmem:$0x110];
	_ =	sdelay $0x4  }
0xce: {  	v49 =	vshll.u32 v3, $0x1  }
0xcf: {  	v3 =	vand.u32 $0x7, v3;
	v4 =	vand.u32 $0xFFFFFFF0, v49  }
0xd0: {  	v3 =	vor.u32 v3, v4  }
0xd1: {  	v4 =	vperm.xlane v3, v0;
	_ =	sdelay $0x1  }
0xd2: {  	v3 =	vperm.xlane v3, v2;
	v4 =	vadd.s32 v1, v4;
	_ =	sdelay $0x1  }
0xd3: {  	v3 =	vadd.s32 v1, v3;
	_ =	sdelay $0x2  }
0xd4: {  	[tilespmem:s16], [sflag:$0x1] =	stream.indirect_vreg.gather [hbm4b:s3+s2], $0x80, v4, vm0, $0xb8;
	[tilespmem:$0x10200] =	vst v63  }
0xd5: {  	_ = 	snop  }
0xd6: {  	[tilespmem:s17], [sflag:$0x1] =	stream.indirect_vreg.gather [hbm4b:s3+s2], $0x80, v3, vm0, $0xb8;
	[tilespmem:$0x10200] =	vst v63  }
0xd7: {  	v3 =	vld [tilespmem:$0x120];
	_ =	sdelay $0x4  }
0xd8: {  	v50 =	vshll.u32 v3, $0x1  }
0xd9: {  	v3 =	vand.u32 $0x7, v3;
	v4 =	vand.u32 $0xFFFFFFF0, v50  }
0xda: {  	v3 =	vor.u32 v3, v4  }
0xdb: {  	v4 =	vperm.xlane v3, v0;
	_ =	sdelay $0x1  }
0xdc: {  	v3 =	vperm.xlane v3, v2;
	v4 =	vadd.s32 v1, v4;
	_ =	sdelay $0x1  }
0xdd: {  	v3 =	vadd.s32 v1, v3;
	_ =	sdelay $0x2  }
0xde: {  	[tilespmem:s18], [sflag:$0x1] =	stream.indirect_vreg.gather [hbm4b:s3+s2], $0x80, v4, vm0, $0xb8;
	[tilespmem:$0x10200] =	vst v63  }
0xdf: {  	_ = 	snop  }
0xe0: {  	[tilespmem:s19], [sflag:$0x1] =	stream.indirect_vreg.gather [hbm4b:s3+s2], $0x80, v3, vm0, $0xb8;
	[tilespmem:$0x10200] =	vst v63  }
0xe1: {  	v3 =	vld [tilespmem:$0x130];
	_ =	sdelay $0x4  }
0xe2: {  	v51 =	vshll.u32 v3, $0x1  }
0xe3: {  	v3 =	vand.u32 $0x7, v3;
	v4 =	vand.u32 $0xFFFFFFF0, v51  }
0xe4: {  	v3 =	vor.u32 v3, v4  }
0xe5: {  	v4 =	vperm.xlane v3, v0;
	_ =	sdelay $0x1  }
0xe6: {  	v3 =	vperm.xlane v3, v2;
	v4 =	vadd.s32 v1, v4;
	_ =	sdelay $0x1  }
0xe7: {  	v3 =	vadd.s32 v1, v3;
	_ =	sdelay $0x2  }
0xe8: {  	[tilespmem:s4], [sflag:$0x1] =	stream.indirect_vreg.gather [hbm4b:s3+s2], $0x80, v4, vm0, $0xb8;
	[tilespmem:$0x10200] =	vst v63  }
0xe9: {  	_ = 	snop  }
0xea: {  	[tilespmem:s21], [sflag:$0x1] =	stream.indirect_vreg.gather [hbm4b:s3+s2], $0x80, v3, vm0, $0xb8;
	[tilespmem:$0x10200] =	vst v63  }
0xeb: {  	v3 =	vld [tilespmem:$0x140];
	_ =	sdelay $0x4  }
0xec: {  	v52 =	vshll.u32 v3, $0x1  }
0xed: {  	v3 =	vand.u32 $0x7, v3;
	v4 =	vand.u32 $0xFFFFFFF0, v52  }
0xee: {  	v3 =	vor.u32 v3, v4  }
0xef: {  	v4 =	vperm.xlane v3, v0;
	_ =	sdelay $0x1  }
0xf0: {  	v3 =	vperm.xlane v3, v2;
	v4 =	vadd.s32 v1, v4;
	_ =	sdelay $0x1  }
0xf1: {  	v3 =	vadd.s32 v1, v3;
	_ =	sdelay $0x2  }
0xf2: {  	[tilespmem:s22], [sflag:$0x1] =	stream.indirect_vreg.gather [hbm4b:s3+s2], $0x80, v4, vm0, $0xb8;
	[tilespmem:$0x10200] =	vst v63  }
0xf3: {  	_ = 	snop  }
0xf4: {  	[tilespmem:s23], [sflag:$0x1] =	stream.indirect_vreg.gather [hbm4b:s3+s2], $0x80, v3, vm0, $0xb8;
	[tilespmem:$0x10200] =	vst v63  }
0xf5: {  	v3 =	vld [tilespmem:$0x150];
	_ =	sdelay $0x4  }
0xf6: {  	v53 =	vshll.u32 v3, $0x1  }
0xf7: {  	v3 =	vand.u32 $0x7, v3;
	v4 =	vand.u32 $0xFFFFFFF0, v53  }
0xf8: {  	v3 =	vor.u32 v3, v4  }
0xf9: {  	v4 =	vperm.xlane v3, v0;
	_ =	sdelay $0x1  }
0xfa: {  	v3 =	vperm.xlane v3, v2;
	v4 =	vadd.s32 v1, v4;
	_ =	sdelay $0x1  }
0xfb: {  	v3 =	vadd.s32 v1, v3;
	_ =	sdelay $0x2  }
0xfc: {  	[tilespmem:s24], [sflag:$0x1] =	stream.indirect_vreg.gather [hbm4b:s3+s2], $0x80, v4, vm0, $0xb8;
	[tilespmem:$0x10200] =	vst v63  }
0xfd: {  	_ = 	snop  }
0xfe: {  	[tilespmem:s25], [sflag:$0x1] =	stream.indirect_vreg.gather [hbm4b:s3+s2], $0x80, v3, vm0, $0xb8;
	[tilespmem:$0x10200] =	vst v63  }
0xff: {  	v3 =	vld [tilespmem:$0x160];
	_ =	sdelay $0x4  }
0x100: {  	v54 =	vshll.u32 v3, $0x1  }
0x101: {  	v3 =	vand.u32 $0x7, v3;
	v4 =	vand.u32 $0xFFFFFFF0, v54  }
0x102: {  	v3 =	vor.u32 v3, v4  }
0x103: {  	v4 =	vperm.xlane v3, v0;
	_ =	sdelay $0x1  }
0x104: {  	v3 =	vperm.xlane v3, v2;
	v4 =	vadd.s32 v1, v4;
	_ =	sdelay $0x1  }
0x105: {  	v3 =	vadd.s32 v1, v3;
	_ =	sdelay $0x2  }
0x106: {  	[tilespmem:s26], [sflag:$0x1] =	stream.indirect_vreg.gather [hbm4b:s3+s2], $0x80, v4, vm0, $0xb8;
	[tilespmem:$0x10200] =	vst v63  }
0x107: {  	_ = 	snop  }
0x108: {  	[tilespmem:s28], [sflag:$0x1] =	stream.indirect_vreg.gather [hbm4b:s3+s2], $0x80, v3, vm0, $0xb8;
	[tilespmem:$0x10200] =	vst v63  }
0x109: {  	v3 =	vld [tilespmem:$0x170];
	_ =	sdelay $0x4  }
0x10a: {  	v55 =	vshll.u32 v3, $0x1  }
0x10b: {  	v3 =	vand.u32 $0x7, v3;
	v4 =	vand.u32 $0xFFFFFFF0, v55  }
0x10c: {  	v3 =	vor.u32 v3, v4  }
0x10d: {  	v4 =	vperm.xlane v3, v0;
	_ =	sdelay $0x1  }
0x10e: {  	v3 =	vperm.xlane v3, v2;
	v4 =	vadd.s32 v1, v4;
	_ =	sdelay $0x1  }
0x10f: {  	v3 =	vadd.s32 v1, v3;
	_ =	sdelay $0x2  }
0x110: {  	[tilespmem:s29], [sflag:$0x1] =	stream.indirect_vreg.gather [hbm4b:s3+s2], $0x80, v4, vm0, $0xb8;
	[tilespmem:$0x10200] =	vst v63  }
0x111: {  	_ = 	snop  }
0x112: {  	[tilespmem:s30], [sflag:$0x1] =	stream.indirect_vreg.gather [hbm4b:s3+s2], $0x80, v3, vm0, $0xb8;
	[tilespmem:$0x10200] =	vst v63  }
0x113: {  	v3 =	vld [tilespmem:$0x180];
	_ =	sdelay $0x4  }
0x114: {  	v56 =	vshll.u32 v3, $0x1  }
0x115: {  	v3 =	vand.u32 $0x7, v3;
	v4 =	vand.u32 $0xFFFFFFF0, v56  }
0x116: {  	v3 =	vor.u32 v3, v4  }
0x117: {  	v4 =	vperm.xlane v3, v0;
	_ =	sdelay $0x1  }
0x118: {  	v3 =	vperm.xlane v3, v2;
	v4 =	vadd.s32 v1, v4;
	_ =	sdelay $0x1  }
0x119: {  	v3 =	vadd.s32 v1, v3;
	_ =	sdelay $0x2  }
0x11a: {  	[tilespmem:s31], [sflag:$0x1] =	stream.indirect_vreg.gather [hbm4b:s3+s2], $0x80, v4, vm0, $0xb8;
	[tilespmem:$0x10200] =	vst v63  }
0x11b: {  	s15 =	simm.s32 $0x8A00  }
0x11c: {  	[tilespmem:s15], [sflag:$0x1] =	stream.indirect_vreg.gather [hbm4b:s3+s2], $0x80, v3, vm0, $0xb8;
	[tilespmem:$0x10200] =	vst v63  }
0x11d: {  	v3 =	vld [tilespmem:$0x190];
	_ =	sdelay $0x4  }
0x11e: {  	v57 =	vshll.u32 v3, $0x1  }
0x11f: {  	v3 =	vand.u32 $0x7, v3;
	v4 =	vand.u32 $0xFFFFFFF0, v57  }
0x120: {  	v3 =	vor.u32 v3, v4  }
0x121: {  	v4 =	vperm.xlane v3, v0;
	_ =	sdelay $0x1  }
0x122: {  	v3 =	vperm.xlane v3, v2;
	v4 =	vadd.s32 v1, v4;
	_ =	sdelay $0x1  }
0x123: {  	v3 =	vadd.s32 v1, v3;
	_ =	sdelay $0x2  }
0x124: {  	[tilespmem:s1], [sflag:$0x1] =	stream.indirect_vreg.gather [hbm4b:s3+s2], $0x80, v4, vm0, $0xb8;
	[tilespmem:$0x10200] =	vst v63  }
0x125: {  	_ = 	snop  }
0x126: {  	[tilespmem:s8], [sflag:$0x1] =	stream.indirect_vreg.gather [hbm4b:s3+s2], $0x80, v3, vm0, $0xb8;
	[tilespmem:$0x10200] =	vst v63  }
0x127: {  	v3 =	vld [tilespmem:$0x1A0];
	_ =	sdelay $0x4  }
0x128: {  	v58 =	vshll.u32 v3, $0x1  }
0x129: {  	v3 =	vand.u32 $0x7, v3;
	v4 =	vand.u32 $0xFFFFFFF0, v58  }
0x12a: {  	v3 =	vor.u32 v3, v4  }
0x12b: {  	v4 =	vperm.xlane v3, v0;
	_ =	sdelay $0x1  }
0x12c: {  	v3 =	vperm.xlane v3, v2;
	v4 =	vadd.s32 v1, v4;
	_ =	sdelay $0x1  }
0x12d: {  	v3 =	vadd.s32 v1, v3;
	_ =	sdelay $0x2  }
0x12e: {  	[tilespmem:s9], [sflag:$0x1] =	stream.indirect_vreg.gather [hbm4b:s3+s2], $0x80, v4, vm0, $0xb8;
	[tilespmem:$0x10200] =	vst v63  }
0x12f: {  	_ = 	snop  }
0x130: {  	[tilespmem:s10], [sflag:$0x1] =	stream.indirect_vreg.gather [hbm4b:s3+s2], $0x80, v3, vm0, $0xb8;
	[tilespmem:$0x10200] =	vst v63  }
0x131: {  	v3 =	vld [tilespmem:$0x1B0];
	_ =	sdelay $0x4  }
0x132: {  	v59 =	vshll.u32 v3, $0x1  }
0x133: {  	v3 =	vand.u32 $0x7, v3;
	v4 =	vand.u32 $0xFFFFFFF0, v59  }
0x134: {  	v3 =	vor.u32 v3, v4  }
0x135: {  	v4 =	vperm.xlane v3, v0;
	_ =	sdelay $0x1  }
0x136: {  	v3 =	vperm.xlane v3, v2;
	v4 =	vadd.s32 v1, v4;
	_ =	sdelay $0x1  }
0x137: {  	v3 =	vadd.s32 v1, v3;
	_ =	sdelay $0x2  }
0x138: {  	[tilespmem:s11], [sflag:$0x1] =	stream.indirect_vreg.gather [hbm4b:s3+s2], $0x80, v4, vm0, $0xb8;
	[tilespmem:$0x10200] =	vst v63  }
0x139: {  	_ = 	snop  }
0x13a: {  	[tilespmem:s12], [sflag:$0x1] =	stream.indirect_vreg.gather [hbm4b:s3+s2], $0x80, v3, vm0, $0xb8;
	[tilespmem:$0x10200] =	vst v63  }
0x13b: {  	v3 =	vld [tilespmem:$0x1C0];
	_ =	sdelay $0x4  }
0x13c: {  	v60 =	vshll.u32 v3, $0x1  }
0x13d: {  	v3 =	vand.u32 $0x7, v3;
	v4 =	vand.u32 $0xFFFFFFF0, v60  }
0x13e: {  	v3 =	vor.u32 v3, v4  }
0x13f: {  	v4 =	vperm.xlane v3, v0;
	_ =	sdelay $0x1  }
0x140: {  	v3 =	vperm.xlane v3, v2;
	v4 =	vadd.s32 v1, v4;
	_ =	sdelay $0x1  }
0x141: {  	v3 =	vadd.s32 v1, v3;
	_ =	sdelay $0x2  }
0x142: {  	[tilespmem:s13], [sflag:$0x1] =	stream.indirect_vreg.gather [hbm4b:s3+s2], $0x80, v4, vm0, $0xb8;
	[tilespmem:$0x10200] =	vst v63  }
0x143: {  	_ = 	snop  }
0x144: {  	[tilespmem:s7], [sflag:$0x1] =	stream.indirect_vreg.gather [hbm4b:s3+s2], $0x80, v3, vm0, $0xb8;
	[tilespmem:$0x10200] =	vst v63  }
0x145: {  	v3 =	vld [tilespmem:$0x1D0];
	_ =	sdelay $0x4  }
0x146: {  	v61 =	vshll.u32 v3, $0x1  }
0x147: {  	v3 =	vand.u32 $0x7, v3;
	v4 =	vand.u32 $0xFFFFFFF0, v61  }
0x148: {  	v3 =	vor.u32 v3, v4  }
0x149: {  	v4 =	vperm.xlane v3, v0;
	_ =	sdelay $0x1  }
0x14a: {  	v3 =	vperm.xlane v3, v2;
	v4 =	vadd.s32 v1, v4;
	_ =	sdelay $0x1  }
0x14b: {  	v3 =	vadd.s32 v1, v3;
	_ =	sdelay $0x1  }
0x14c: {  	s15 =	simm.s32 $0xD200  }
0x14d: {  	[tilespmem:s15], [sflag:$0x1] =	stream.indirect_vreg.gather [hbm4b:s3+s2], $0x80, v4, vm0, $0xb8;
	[tilespmem:$0x10200] =	vst v63  }
0x14e: {  	s15 =	simm.s32 $0xDA00  }
0x14f: {  	[tilespmem:s15], [sflag:$0x1] =	stream.indirect_vreg.gather [hbm4b:s3+s2], $0x80, v3, vm0, $0xb8;
	[tilespmem:$0x10200] =	vst v63  }
0x150: {  	v3 =	vld [tilespmem:$0x1E0];
	_ =	sdelay $0x4  }
0x151: {  	v62 =	vshll.u32 v3, $0x1  }
0x152: {  	v3 =	vand.u32 $0x7, v3;
	v4 =	vand.u32 $0xFFFFFFF0, v62  }
0x153: {  	v3 =	vor.u32 v3, v4  }
0x154: {  	v4 =	vperm.xlane v3, v0;
	_ =	sdelay $0x1  }
0x155: {  	v3 =	vperm.xlane v3, v2;
	v4 =	vadd.s32 v1, v4;
	_ =	sdelay $0x1  }
0x156: {  	v3 =	vadd.s32 v1, v3;
	_ =	sdelay $0x1  }
0x157: {  	s15 =	simm.s32 $0xE200  }
0x158: {  	[tilespmem:s15], [sflag:$0x1] =	stream.indirect_vreg.gather [hbm4b:s3+s2], $0x80, v4, vm0, $0xb8;
	[tilespmem:$0x10200] =	vst v63  }
0x159: {  	s15 =	simm.s32 $0xEA00  }
0x15a: {  	[tilespmem:s15], [sflag:$0x1] =	stream.indirect_vreg.gather [hbm4b:s3+s2], $0x80, v3, vm0, $0xb8;
	[tilespmem:$0x10200] =	vst v63  }
0x15b: {  	v3 =	vld [tilespmem:$0x1F0];
	_ =	sdelay $0x4  }
0x15c: {  	v63 =	vshll.u32 v3, $0x1  }
0x15d: {  	v3 =	vand.u32 $0x7, v3;
	v4 =	vand.u32 $0xFFFFFFF0, v63  }
0x15e: {  	v3 =	vor.u32 v3, v4  }
0x15f: {  	v4 =	vperm.xlane v3, v0;
	_ =	sdelay $0x1  }
0x160: {  	v3 =	vperm.xlane v3, v2;
	v4 =	vadd.s32 v1, v4;
	_ =	sdelay $0x1  }
0x161: {  	v3 =	vadd.s32 v1, v3;
	_ =	sdelay $0x1  }
0x162: {  	s15 =	simm.s32 $0xF200  }
0x163: {  	[tilespmem:s15], [sflag:$0x1] =	stream.indirect_vreg.gather [hbm4b:s3+s2], $0x80, v4, vm0, $0xb8;
	[tilespmem:$0x10200] =	vst v63  }
0x164: {  	s15 =	simm.s32 $0xFA00  }
0x165: {  	[tilespmem:s15], [sflag:$0x1] =	stream.indirect_vreg.gather [hbm4b:s3+s2], $0x80, v3, vm0, $0xb8;
	[tilespmem:$0x10200] =	vst v63  }
0x166: {  	_ =	swait.ge [sflag:s14], $0x10000  }
0x167: {  	p0 =	sne.s32 s5, $0x1;
	s20 =	simm.s32 $0x200;
	[sflag:s14] =	ssyncset.done $0x0  }
.Ltmp0:
0x168: {  	s0 =	rddreg [dreg:$0x4];
	[sflag:s14] =	ssyncadd.s32 $0xFFFF0000;
	(pc) =	sbr.rel @p0 .LBB2_1-.Ltmp0, $4  }
0x169: {  	[hbm4b:s0+s2] =	stream.linear.scatter [tilespmem:s20], [sflag:$0x2], $0x10000, $0x38;
	[tilespmem:$0x10200] =	vst v63  }
0x16a: {  	_ =	swait.ge [sflag:s6], $0x10000  }
0x16b: {  	[sflag:s6] =	ssyncset.done $0x0  }
0x16c: {  	s5 =	sadd.s32 $0xFFFFFFFF, s5;
	[sflag:s6] =	ssyncadd.s32 $0xFFFF0000  }
0x16d: {  	_ =	sfence.sel $0x180000  }
0x16e: {  	[bflag:$0x0] =	sbarrier.arrive $0xFFFF  }
0x16f: {  	_ =	strace $0x90000047  }
0x170: {  	s0 =	stileid.u32;
	[bflag:$0x2] =	sbarrier.arrive $0xFFFF  }
0x171: {  	p0 =	sne.s32 s0, $0x0;
	s0 =	rddreg [dreg:$0x2]  }
0x172: {  	s0 =	sadd.s32 @!p0 $0x100000, s0  }
0x173: {  	[sflag:s0] =	ssyncadd.tile.s32 @!p0 $0x1;
	_ =	shalt  }
.Lfunc_end2:
_tile_overlayer_lowered:
.L_overlay_start_2:
0x174: {  	(tag) =	ssettag $0x2  }
0x175: {  	s0 =	rddreg [dreg:$0x0];
	s2 =	stileid.u32  }
0x176: {  	s1 =	rddreg [dreg:$0x1];
	p0 =	sne.s32 s2, $0x0  }
0x177: {  	s3 =	rddreg [dreg:$0x2];
	[bflag:$0x3] =	sbarrier.arrive $0xFFFF;
	s2 =	simm.s32 @!p0 $0x1C02  }
0x178: {  	[timem:s3], [sflag:s2] =	dma.local @!p0 [hbm:s0], s1  }
0x179: {  	s0 =	simm.s32 @!p0 $0x2  }
0x17a: {  	_ =	swait.ge @!p0 [sflag:s0], s1  }
0x17b: {  	s1 =	ssub.s32 @!p0 $0x0, s1;
	[sflag:s0] =	ssyncset.done @!p0 $0x0  }
0x17c: {  	[sflag:s0] =	ssyncadd.s32 @!p0 s1  }
0x17d: {  	[bflag:$0x3] =	sbarrier.arrive $0xFFFF  }
0x17e: {  	_ =	shalt  }

</sc_bundles>
